<compile_context>
chip_gen: v7x
topology: tpu7x:2x2x1
jax: 0.10.2.dev20260603
libtpu: 0.0.44.dev20260713+nightly
codegen_flags: <defaults>
</compile_context>

<pallas_src>
import functools

import jax
import jax.numpy as jnp
from jax import lax
from jax.experimental import pallas as pl
from jax.experimental.pallas import tpu as pltpu
from jax.experimental.pallas import tpu_sc as plsc

N = 100000
E = 6400000
NOUT = N // 5
NW = 32
CHUNK = 1280
N_CHUNKS = E // CHUNK
MAXJ = -(-N_CHUNKS // NW)
UNROLL = 16
INNER = CHUNK // (16 * UNROLL)
NBUF = 4

_mesh = plsc.VectorSubcoreMesh(core_axis_name="c", subcore_axis_name="s")


@functools.partial(
    pl.kernel,
    mesh=_mesh,
    out_type=jax.ShapeDtypeStruct((NW, NOUT), jnp.float32),
    compiler_params=pltpu.CompilerParams(needs_layout_passes=False),
    scratch_types=[
        pltpu.VMEM((N,), jnp.float32),
        pltpu.VMEM((NOUT,), jnp.float32),
        [pltpu.VMEM((2, CHUNK), jnp.int32)] * NBUF,
        pltpu.SemaphoreType.DMA,
        [pltpu.SemaphoreType.DMA] * NBUF,
    ],
)
def _edge_scatter(x_hbm, ei_hbm, part_hbm, x_v, acc_v, ed_v, x_sem, ed_sems):
    wid = lax.axis_index("s") * 2 + lax.axis_index("c")

    def start_fetch(c, b):
        pltpu.async_copy(
            ei_hbm.at[pl.ds(0, 2), pl.ds(c * CHUNK, CHUNK)], ed_v[b], ed_sems[b]
        )

    def wait_fetch(b):
        pltpu.make_async_copy(
            ei_hbm.at[pl.ds(0, 2), pl.ds(0, CHUNK)], ed_v[b], ed_sems[b]
        ).wait()

    x_copy = pltpu.async_copy(x_hbm, x_v, x_sem)
    for b in range(NBUF):
        start_fetch(wid + NW * b, b)

    zeros16 = jnp.zeros((16,), jnp.float32)

    def zbody(i, carry):
        acc_v[pl.ds(i * 16, 16)] = zeros16
        return carry

    lax.fori_loop(0, NOUT // 16, zbody, 0, unroll=8)
    x_copy.wait()

    def outer(g, carry):
        for b in range(NBUF):
            j = g * NBUF + b
            c = wid + NW * j

            @pl.when(c < N_CHUNKS)
            def _():
                wait_fetch(b)

                def inner(i, icarry):
                    off = i * (16 * UNROLL)
                    ss, qs, ms = [], [], []
                    for u in range(UNROLL):
                        o = off + u * 16
                        d = ed_v[b][1, pl.ds(o, 16)]
                        s = ed_v[b][0, pl.ds(o, 16)]
                        t = d.astype(jnp.uint32) * jnp.uint32(3435973837)
                        ss.append(s)
                        ms.append(t <= jnp.uint32(858993459))
                        qs.append(plsc.bitcast(t, jnp.int32))
                    vals = [
                        plsc.load_gather(x_v, [ss[u]], mask=ms[u])
                        for u in range(UNROLL)
                    ]
                    for u in range(UNROLL):
                        plsc.addupdate_scatter(acc_v, [qs[u]], vals[u], mask=ms[u])
                    return icarry

                lax.fori_loop(0, INNER, inner, 0)

                nxt = c + NW * NBUF

                @pl.when(nxt < N_CHUNKS)
                def _():
                    start_fetch(nxt, b)

        return carry

    lax.fori_loop(0, -(-MAXJ // NBUF), outer, 0)

    pltpu.sync_copy(acc_v, part_hbm.at[wid])


def _bf(v):
    return v.astype(jnp.bfloat16).astype(jnp.float32)


def _tail_body(p_ref, w1_ref, b1_ref, wm1_ref, bm1_ref, wm2_ref, bm2_ref, o_ref):
    s = jnp.sum(p_ref[...], axis=0)
    val = s * w1_ref[0, 0] + b1_ref[0]
    vb = _bf(val)
    out = jnp.full((NOUT,), bm2_ref[0], jnp.float32)
    for j in range(4):
        cj = _bf(wm1_ref[0, j]) + _bf(wm1_ref[1, j])
        hj = jnp.maximum(vb * cj + bm1_ref[j], 0.0)
        out = out + _bf(hj) * _bf(wm2_ref[j, 0])
    o_ref[...] = out


_tail = pl.pallas_call(
    _tail_body,
    out_shape=jax.ShapeDtypeStruct((NOUT,), jnp.float32),
    in_specs=[
        pl.BlockSpec(memory_space=pltpu.VMEM),
        pl.BlockSpec(memory_space=pltpu.SMEM),
        pl.BlockSpec(memory_space=pltpu.SMEM),
        pl.BlockSpec(memory_space=pltpu.SMEM),
        pl.BlockSpec(memory_space=pltpu.SMEM),
        pl.BlockSpec(memory_space=pltpu.SMEM),
        pl.BlockSpec(memory_space=pltpu.SMEM),
    ],
    out_specs=pl.BlockSpec(memory_space=pltpu.VMEM),
)


def kernel(x, edge_index, W1, b1, Wm1, bm1, Wm2, bm2):
    xf = x.reshape(-1)
    partials = _edge_scatter(xf, edge_index)
    return _tail(partials, W1, b1, Wm1, bm1, Wm2, bm2)

# --- scband reference (transcript-rebuilt; emitter-appended) ---
"""Pipeline reference for scband-gcn-34282428957112 (READ-ONLY COPY).

The authoritative reference and input builder live on the scoring server;
editing this copy changes nothing except your own understanding.
"""

import jax, jax.numpy as jnp
import numpy as np

N = 100000
E = 6400000

def setup_inputs(seed: int = 0) -> dict:
    key = jax.random.key(seed)
    ks = jax.random.split(key, 8)
    x = jax.random.normal(ks[0], (N, 1), dtype=jnp.float32)
    # jax default int is int32; values in [0, N)
    edge_index = jax.random.randint(ks[1], (2, E), 0, N, dtype=jnp.int32)
    # GCNConv(1,1, normalize=False, bias=True) parameters
    W1 = jax.random.normal(ks[2], (1, 1), dtype=jnp.float32)
    b1 = jnp.zeros((1,), dtype=jnp.float32)
    # intermediate MLP: Linear(2,4) -> ReLU -> Linear(4,1); weights stored as [in, out]
    Wm1 = jax.random.normal(ks[3], (2, 4), dtype=jnp.float32) * 0.5
    bm1 = jnp.zeros((4,), dtype=jnp.float32)
    Wm2 = jax.random.normal(ks[4], (4, 1), dtype=jnp.float32) * 0.5
    bm2 = jnp.zeros((1,), dtype=jnp.float32)
    return {"x": x, "edge_index": edge_index, "W1": W1, "b1": b1,
            "Wm1": Wm1, "bm1": bm1, "Wm2": Wm2, "bm2": bm2}


def reference(x, edge_index, W1, b1, Wm1, bm1, Wm2, bm2):
    # GCNConv with normalize=False: out[dst] = sum_{(src->dst)} (x[src] @ W) + b
    src = edge_index[0]
    dst = edge_index[1]
    lin = x @ W1                                   # [N, 1]
    msgs = jnp.take(lin, src, axis=0)              # gather over 6.4M edges
    agg = jax.ops.segment_sum(msgs, dst, num_segments=x.shape[0])  # scatter-add
    x_prev = agg + b1                              # [N, 1]
    # intermediate MLP on cat([x_prev, x_prev], dim=1)
    h = jnp.concatenate([x_prev, x_prev], axis=1)  # [N, 2]
    h = jax.nn.relu(h @ Wm1 + bm1)                 # [N, 4]
    h = h @ Wm2 + bm2                              # [N, 1]
    h = h.reshape(-1, 5)                           # [N/5, 5]
    return h[:, 0]                                 # [N/5]

if __name__ == "__main__":
    import jax
    _d = setup_inputs()
    print(jax.jit(kernel)(*tuple(_d.values())))

</pallas_src>

<mosaic_0001>
#map = affine_map<(d0, d1) -> (0)>
#map1 = affine_map<(d0, d1) -> (0, 0)>
module attributes {stable_mosaic.version = 14 : i64} {
  func.func @_edge_scatter(%arg0: i32, %arg1: i32, %arg2: memref<100000xf32, #tpu.memory_space<hbm>>, %arg3: memref<2x6400000xi32, #tpu.memory_space<hbm>>, %arg4: memref<32x20000xf32, #tpu.memory_space<hbm>>, %arg5: memref<100000xf32, #tpu.memory_space<vmem>>, %arg6: memref<20000xf32, #tpu.memory_space<vmem>>, %arg7: memref<2x1280xi32, #tpu.memory_space<vmem>>, %arg8: memref<2x1280xi32, #tpu.memory_space<vmem>>, %arg9: memref<2x1280xi32, #tpu.memory_space<vmem>>, %arg10: memref<2x1280xi32, #tpu.memory_space<vmem>>, %arg11: memref<!tpu.dma_semaphore, #tpu.memory_space<semaphore_mem>>, %arg12: memref<!tpu.dma_semaphore, #tpu.memory_space<semaphore_mem>>, %arg13: memref<!tpu.dma_semaphore, #tpu.memory_space<semaphore_mem>>, %arg14: memref<!tpu.dma_semaphore, #tpu.memory_space<semaphore_mem>>, %arg15: memref<!tpu.dma_semaphore, #tpu.memory_space<semaphore_mem>>) attributes {dimension_semantics = [#tpu.dimension_semantics<core_parallel>, #tpu.dimension_semantics<subcore_parallel>], iteration_bounds = array<i64: 2, 16>, scalar_prefetch = 0 : i64, scratch_operands = 11 : i64, tpu.core_type = #tpu.core_type<sc_vector_subcore>, window_params = [{transform_indices = #map}, {transform_indices = #map1}, {transform_indices = #map1}]} {
    %mul3A = arith.constant 2 : i32
    %mul3A_0 = arith.muli %arg1, %mul3A : i32
    %add3A = arith.addi %mul3A_0, %arg0 : i32
    tpu.enqueue_dma source(%arg2 : memref<100000xf32, #tpu.memory_space<hbm>>) target(%arg5 : memref<100000xf32, #tpu.memory_space<vmem>>) target_semaphore(%arg11 : memref<!tpu.dma_semaphore, #tpu.memory_space<semaphore_mem>>)
    %add3A_1 = arith.constant 0 : i32
    %add3A_2 = arith.addi %add3A, %add3A_1 : i32
    %mul3A_3 = arith.constant 1280 : i32
    %mul3A_4 = arith.muli %add3A_2, %mul3A_3 : i32
    %dma_start3A = arith.constant 0 : i32
    %dma_start3A_5 = tpu.memref_slice %arg3[%dma_start3A, %mul3A_4] : memref<2x6400000xi32, #tpu.memory_space<hbm>> -> memref<2x1280xi32, #tpu.memory_space<hbm>>
    %dma_start3A_6 = arith.constant 0 : i32
    %dma_start3A_7 = tpu.memref_slice %arg3[%dma_start3A_6, %mul3A_4] : memref<2x6400000xi32, #tpu.memory_space<hbm>> -> memref<2x1280xi32, #tpu.memory_space<hbm>>
    tpu.enqueue_dma source(%dma_start3A_7 : memref<2x1280xi32, #tpu.memory_space<hbm>>) target(%arg7 : memref<2x1280xi32, #tpu.memory_space<vmem>>) target_semaphore(%arg12 : memref<!tpu.dma_semaphore, #tpu.memory_space<semaphore_mem>>)
    %add3A_8 = arith.constant 32 : i32
    %add3A_9 = arith.addi %add3A, %add3A_8 : i32
    %mul3A_10 = arith.constant 1280 : i32
    %mul3A_11 = arith.muli %add3A_9, %mul3A_10 : i32
    %dma_start3A_12 = arith.constant 0 : i32
    %dma_start3A_13 = tpu.memref_slice %arg3[%dma_start3A_12, %mul3A_11] : memref<2x6400000xi32, #tpu.memory_space<hbm>> -> memref<2x1280xi32, #tpu.memory_space<hbm>>
    %dma_start3A_14 = arith.constant 0 : i32
    %dma_start3A_15 = tpu.memref_slice %arg3[%dma_start3A_14, %mul3A_11] : memref<2x6400000xi32, #tpu.memory_space<hbm>> -> memref<2x1280xi32, #tpu.memory_space<hbm>>
    tpu.enqueue_dma source(%dma_start3A_15 : memref<2x1280xi32, #tpu.memory_space<hbm>>) target(%arg8 : memref<2x1280xi32, #tpu.memory_space<vmem>>) target_semaphore(%arg13 : memref<!tpu.dma_semaphore, #tpu.memory_space<semaphore_mem>>)
    %add3A_16 = arith.constant 64 : i32
    %add3A_17 = arith.addi %add3A, %add3A_16 : i32
    %mul3A_18 = arith.constant 1280 : i32
    %mul3A_19 = arith.muli %add3A_17, %mul3A_18 : i32
    %dma_start3A_20 = arith.constant 0 : i32
    %dma_start3A_21 = tpu.memref_slice %arg3[%dma_start3A_20, %mul3A_19] : memref<2x6400000xi32, #tpu.memory_space<hbm>> -> memref<2x1280xi32, #tpu.memory_space<hbm>>
    %dma_start3A_22 = arith.constant 0 : i32
    %dma_start3A_23 = tpu.memref_slice %arg3[%dma_start3A_22, %mul3A_19] : memref<2x6400000xi32, #tpu.memory_space<hbm>> -> memref<2x1280xi32, #tpu.memory_space<hbm>>
    tpu.enqueue_dma source(%dma_start3A_23 : memref<2x1280xi32, #tpu.memory_space<hbm>>) target(%arg9 : memref<2x1280xi32, #tpu.memory_space<vmem>>) target_semaphore(%arg14 : memref<!tpu.dma_semaphore, #tpu.memory_space<semaphore_mem>>)
    %add3A_24 = arith.constant 96 : i32
    %add3A_25 = arith.addi %add3A, %add3A_24 : i32
    %mul3A_26 = arith.constant 1280 : i32
    %mul3A_27 = arith.muli %add3A_25, %mul3A_26 : i32
    %dma_start3A_28 = arith.constant 0 : i32
    %dma_start3A_29 = tpu.memref_slice %arg3[%dma_start3A_28, %mul3A_27] : memref<2x6400000xi32, #tpu.memory_space<hbm>> -> memref<2x1280xi32, #tpu.memory_space<hbm>>
    %dma_start3A_30 = arith.constant 0 : i32
    %dma_start3A_31 = tpu.memref_slice %arg3[%dma_start3A_30, %mul3A_27] : memref<2x6400000xi32, #tpu.memory_space<hbm>> -> memref<2x1280xi32, #tpu.memory_space<hbm>>
    tpu.enqueue_dma source(%dma_start3A_31 : memref<2x1280xi32, #tpu.memory_space<hbm>>) target(%arg10 : memref<2x1280xi32, #tpu.memory_space<vmem>>) target_semaphore(%arg15 : memref<!tpu.dma_semaphore, #tpu.memory_space<semaphore_mem>>)
    %broadcast_in_dim3A = arith.constant 0.000000e+00 : f32
    %broadcast_in_dim3A_32 = vector.broadcast %broadcast_in_dim3A : f32 to vector<16xf32>
    %scan3A = arith.constant 0 : i32
    %scan3A_33 = arith.constant 0 : i32
    %scan3A_34 = arith.constant 1248 : i32
    %scan3A_35 = arith.addi %scan3A_33, %scan3A_34 : i32
    %scan3A_36 = arith.constant 8 : i32
    scf.for %scan3A_55 = %scan3A_33 to %scan3A_35 step %scan3A_36  : i32 {
      %mul3A_56 = arith.constant 16 : i32
      %mul3A_57 = arith.muli %scan3A_55, %mul3A_56 : i32
      %swap3A_58 = arith.index_cast %mul3A_57 : i32 to index
      %swap3A_59 = tpu.vector_load %arg6[%swap3A_58] {strides = array<i32>} : memref<20000xf32, #tpu.memory_space<vmem>>, vector<16xf32>,
      tpu.vector_store %arg6[%swap3A_58], %broadcast_in_dim3A_32 {strides = array<i32>} : memref<20000xf32, #tpu.memory_space<vmem>>, vector<16xf32>,
      %scan3A_60 = arith.constant 1 : i32
      %scan3A_61 = arith.addi %scan3A_55, %scan3A_60 : i32
      %mul3A_62 = arith.constant 16 : i32
      %mul3A_63 = arith.muli %scan3A_61, %mul3A_62 : i32
      %swap3A_64 = arith.index_cast %mul3A_63 : i32 to index
      %swap3A_65 = tpu.vector_load %arg6[%swap3A_64] {strides = array<i32>} : memref<20000xf32, #tpu.memory_space<vmem>>, vector<16xf32>,
      tpu.vector_store %arg6[%swap3A_64], %broadcast_in_dim3A_32 {strides = array<i32>} : memref<20000xf32, #tpu.memory_space<vmem>>, vector<16xf32>,
      %scan3A_66 = arith.constant 2 : i32
      %scan3A_67 = arith.addi %scan3A_55, %scan3A_66 : i32
      %mul3A_68 = arith.constant 16 : i32
      %mul3A_69 = arith.muli %scan3A_67, %mul3A_68 : i32
      %swap3A_70 = arith.index_cast %mul3A_69 : i32 to index
      %swap3A_71 = tpu.vector_load %arg6[%swap3A_70] {strides = array<i32>} : memref<20000xf32, #tpu.memory_space<vmem>>, vector<16xf32>,
      tpu.vector_store %arg6[%swap3A_70], %broadcast_in_dim3A_32 {strides = array<i32>} : memref<20000xf32, #tpu.memory_space<vmem>>, vector<16xf32>,
      %scan3A_72 = arith.constant 3 : i32
      %scan3A_73 = arith.addi %scan3A_55, %scan3A_72 : i32
      %mul3A_74 = arith.constant 16 : i32
      %mul3A_75 = arith.muli %scan3A_73, %mul3A_74 : i32
      %swap3A_76 = arith.index_cast %mul3A_75 : i32 to index
      %swap3A_77 = tpu.vector_load %arg6[%swap3A_76] {strides = array<i32>} : memref<20000xf32, #tpu.memory_space<vmem>>, vector<16xf32>,
      tpu.vector_store %arg6[%swap3A_76], %broadcast_in_dim3A_32 {strides = array<i32>} : memref<20000xf32, #tpu.memory_space<vmem>>, vector<16xf32>,
      %scan3A_78 = arith.constant 4 : i32
      %scan3A_79 = arith.addi %scan3A_55, %scan3A_78 : i32
      %mul3A_80 = arith.constant 16 : i32
      %mul3A_81 = arith.muli %scan3A_79, %mul3A_80 : i32
      %swap3A_82 = arith.index_cast %mul3A_81 : i32 to index
      %swap3A_83 = tpu.vector_load %arg6[%swap3A_82] {strides = array<i32>} : memref<20000xf32, #tpu.memory_space<vmem>>, vector<16xf32>,
      tpu.vector_store %arg6[%swap3A_82], %broadcast_in_dim3A_32 {strides = array<i32>} : memref<20000xf32, #tpu.memory_space<vmem>>, vector<16xf32>,
      %scan3A_84 = arith.constant 5 : i32
      %scan3A_85 = arith.addi %scan3A_55, %scan3A_84 : i32
      %mul3A_86 = arith.constant 16 : i32
      %mul3A_87 = arith.muli %scan3A_85, %mul3A_86 : i32
      %swap3A_88 = arith.index_cast %mul3A_87 : i32 to index
      %swap3A_89 = tpu.vector_load %arg6[%swap3A_88] {strides = array<i32>} : memref<20000xf32, #tpu.memory_space<vmem>>, vector<16xf32>,
      tpu.vector_store %arg6[%swap3A_88], %broadcast_in_dim3A_32 {strides = array<i32>} : memref<20000xf32, #tpu.memory_space<vmem>>, vector<16xf32>,
      %scan3A_90 = arith.constant 6 : i32
      %scan3A_91 = arith.addi %scan3A_55, %scan3A_90 : i32
      %mul3A_92 = arith.constant 16 : i32
      %mul3A_93 = arith.muli %scan3A_91, %mul3A_92 : i32
      %swap3A_94 = arith.index_cast %mul3A_93 : i32 to index
      %swap3A_95 = tpu.vector_load %arg6[%swap3A_94] {strides = array<i32>} : memref<20000xf32, #tpu.memory_space<vmem>>, vector<16xf32>,
      tpu.vector_store %arg6[%swap3A_94], %broadcast_in_dim3A_32 {strides = array<i32>} : memref<20000xf32, #tpu.memory_space<vmem>>, vector<16xf32>,
      %scan3A_96 = arith.constant 7 : i32
      %scan3A_97 = arith.addi %scan3A_55, %scan3A_96 : i32
      %mul3A_98 = arith.constant 16 : i32
      %mul3A_99 = arith.muli %scan3A_97, %mul3A_98 : i32
      %swap3A_100 = arith.index_cast %mul3A_99 : i32 to index
      %swap3A_101 = tpu.vector_load %arg6[%swap3A_100] {strides = array<i32>} : memref<20000xf32, #tpu.memory_space<vmem>>, vector<16xf32>,
      tpu.vector_store %arg6[%swap3A_100], %broadcast_in_dim3A_32 {strides = array<i32>} : memref<20000xf32, #tpu.memory_space<vmem>>, vector<16xf32>,
    }
    %scan3A_37 = arith.constant 1248 : i32
    %scan3A_38 = arith.addi %scan3A_33, %scan3A_37 : i32
    %mul3A_39 = arith.constant 16 : i32
    %mul3A_40 = arith.muli %scan3A_38, %mul3A_39 : i32
    %swap3A = arith.index_cast %mul3A_40 : i32 to index
    %swap3A_41 = tpu.vector_load %arg6[%swap3A] {strides = array<i32>} : memref<20000xf32, #tpu.memory_space<vmem>>, vector<16xf32>,
    tpu.vector_store %arg6[%swap3A], %broadcast_in_dim3A_32 {strides = array<i32>} : memref<20000xf32, #tpu.memory_space<vmem>>, vector<16xf32>,
    %scan3A_42 = arith.constant 1249 : i32
    %scan3A_43 = arith.addi %scan3A_33, %scan3A_42 : i32
    %mul3A_44 = arith.constant 16 : i32
    %mul3A_45 = arith.muli %scan3A_43, %mul3A_44 : i32
    %swap3A_46 = arith.index_cast %mul3A_45 : i32 to index
    %swap3A_47 = tpu.vector_load %arg6[%swap3A_46] {strides = array<i32>} : memref<20000xf32, #tpu.memory_space<vmem>>, vector<16xf32>,
    tpu.vector_store %arg6[%swap3A_46], %broadcast_in_dim3A_32 {strides = array<i32>} : memref<20000xf32, #tpu.memory_space<vmem>>, vector<16xf32>,
    %scan3A_48 = arith.constant 1250 : i32
    tpu.wait_dma2 semaphore(%arg11 : memref<!tpu.dma_semaphore, #tpu.memory_space<semaphore_mem>>) src(%arg2 : memref<100000xf32, #tpu.memory_space<hbm>>) dst(%arg5 : memref<100000xf32, #tpu.memory_space<vmem>>)
    %scan3A_49 = arith.constant 0 : i32
    %scan3A_50 = arith.constant 0 : i32
    %scan3A_51 = arith.constant 40 : i32
    %scan3A_52 = arith.addi %scan3A_50, %scan3A_51 : i32
    %scan3A_53 = arith.constant 1 : i32
    scf.for %scan3A_55 = %scan3A_50 to %scan3A_52 step %scan3A_53  : i32 {
      %mul3A_56 = arith.constant 4 : i32
      %mul3A_57 = arith.muli %scan3A_55, %mul3A_56 : i32
      %add3A_58 = arith.constant 0 : i32
      %add3A_59 = arith.addi %mul3A_57, %add3A_58 : i32
      %mul3A_60 = arith.constant 32 : i32
      %mul3A_61 = arith.muli %mul3A_60, %add3A_59 : i32
      %add3A_62 = arith.addi %add3A, %mul3A_61 : i32
      %lt3A = arith.constant 5000 : i32
      %lt3A_63 = arith.cmpi slt, %add3A_62, %lt3A : i32
      %convert_element_type3A = arith.extui %lt3A_63 : i1 to i32
      %cond3A = arith.constant 0 : i32
      %cond3A_64 = arith.cmpi ne, %convert_element_type3A, %cond3A : i32
      scf.if %cond3A_64 {
        %dma_wait3A = arith.constant 0 : i32
        %dma_wait3A_101 = arith.constant 0 : i32
        %dma_wait3A_102 = tpu.memref_slice %arg3[%dma_wait3A, %dma_wait3A_101] : memref<2x6400000xi32, #tpu.memory_space<hbm>> -> memref<2x1280xi32, #tpu.memory_space<hbm>>
        %dma_wait3A_103 = arith.constant 0 : i32
        %dma_wait3A_104 = arith.constant 0 : i32
        %dma_wait3A_105 = tpu.memref_slice %arg3[%dma_wait3A_103, %dma_wait3A_104] : memref<2x6400000xi32, #tpu.memory_space<hbm>> -> memref<2x1280xi32, #tpu.memory_space<hbm>>
        tpu.wait_dma2 semaphore(%arg12 : memref<!tpu.dma_semaphore, #tpu.memory_space<semaphore_mem>>) src(%dma_wait3A_105 : memref<2x1280xi32, #tpu.memory_space<hbm>>) dst(%arg7 : memref<2x1280xi32, #tpu.memory_space<vmem>>)
        %scan3A_106 = arith.constant 0 : i32
        %scan3A_107 = arith.constant 0 : i32
        %scan3A_108 = arith.constant 5 : i32
        %scan3A_109 = arith.addi %scan3A_107, %scan3A_108 : i32
        %scan3A_110 = arith.constant 1 : i32
        scf.for %scan3A_119 = %scan3A_107 to %scan3A_109 step %scan3A_110  : i32 {
          %mul3A_120 = arith.constant 256 : i32
          %mul3A_121 = arith.muli %scan3A_119, %mul3A_120 : i32
          %add3A_122 = arith.constant 0 : i32
          %add3A_123 = arith.addi %mul3A_121, %add3A_122 : i32
          %get3A = arith.constant 1 : i32
          %get3A_124 = arith.index_cast %get3A : i32 to index
          %get3A_125 = arith.index_cast %add3A_123 : i32 to index
          %get3A_126 = tpu.vector_load %arg7[%get3A_124, %get3A_125] {strides = array<i32>} : memref<2x1280xi32, #tpu.memory_space<vmem>>, vector<16xi32>,
          %get3A_127 = arith.constant 0 : i32
          %get3A_128 = arith.index_cast %get3A_127 : i32 to index
          %get3A_129 = arith.index_cast %add3A_123 : i32 to index
          %get3A_130 = tpu.vector_load %arg7[%get3A_128, %get3A_129] {strides = array<i32>} : memref<2x1280xi32, #tpu.memory_space<vmem>>, vector<16xi32>,
          %mul3A_131 = arith.constant -858993459 : i32
          %mul3A_132 = vector.broadcast %mul3A_131 : i32 to vector<16xi32>
          %mul3A_133 = arith.muli %get3A_126, %mul3A_132 : vector<16xi32>
          %le3A = arith.constant 858993459 : i32
          %le3A_134 = vector.broadcast %le3A : i32 to vector<16xi32>
          %le3A_135 = arith.cmpi ule, %mul3A_133, %le3A_134 : vector<16xi32>
          %bitcast3A = vector.bitcast %mul3A_133 : vector<16xi32> to vector<16xi32>
          %add3A_136 = arith.constant 16 : i32
          %add3A_137 = arith.addi %mul3A_121, %add3A_136 : i32
          %get3A_138 = arith.constant 1 : i32
          %get3A_139 = arith.index_cast %get3A_138 : i32 to index
          %get3A_140 = arith.index_cast %add3A_137 : i32 to index
          %get3A_141 = tpu.vector_load %arg7[%get3A_139, %get3A_140] {strides = array<i32>} : memref<2x1280xi32, #tpu.memory_space<vmem>>, vector<16xi32>,
          %get3A_142 = arith.constant 0 : i32
          %get3A_143 = arith.index_cast %get3A_142 : i32 to index
          %get3A_144 = arith.index_cast %add3A_137 : i32 to index
          %get3A_145 = tpu.vector_load %arg7[%get3A_143, %get3A_144] {strides = array<i32>} : memref<2x1280xi32, #tpu.memory_space<vmem>>, vector<16xi32>,
          %mul3A_146 = arith.constant -858993459 : i32
          %mul3A_147 = vector.broadcast %mul3A_146 : i32 to vector<16xi32>
          %mul3A_148 = arith.muli %get3A_141, %mul3A_147 : vector<16xi32>
          %le3A_149 = arith.constant 858993459 : i32
          %le3A_150 = vector.broadcast %le3A_149 : i32 to vector<16xi32>
          %le3A_151 = arith.cmpi ule, %mul3A_148, %le3A_150 : vector<16xi32>
          %bitcast3A_152 = vector.bitcast %mul3A_148 : vector<16xi32> to vector<16xi32>
          %add3A_153 = arith.constant 32 : i32
          %add3A_154 = arith.addi %mul3A_121, %add3A_153 : i32
          %get3A_155 = arith.constant 1 : i32
          %get3A_156 = arith.index_cast %get3A_155 : i32 to index
          %get3A_157 = arith.index_cast %add3A_154 : i32 to index
          %get3A_158 = tpu.vector_load %arg7[%get3A_156, %get3A_157] {strides = array<i32>} : memref<2x1280xi32, #tpu.memory_space<vmem>>, vector<16xi32>,
          %get3A_159 = arith.constant 0 : i32
          %get3A_160 = arith.index_cast %get3A_159 : i32 to index
          %get3A_161 = arith.index_cast %add3A_154 : i32 to index
          %get3A_162 = tpu.vector_load %arg7[%get3A_160, %get3A_161] {strides = array<i32>} : memref<2x1280xi32, #tpu.memory_space<vmem>>, vector<16xi32>,
          %mul3A_163 = arith.constant -858993459 : i32
          %mul3A_164 = vector.broadcast %mul3A_163 : i32 to vector<16xi32>
          %mul3A_165 = arith.muli %get3A_158, %mul3A_164 : vector<16xi32>
          %le3A_166 = arith.constant 858993459 : i32
          %le3A_167 = vector.broadcast %le3A_166 : i32 to vector<16xi32>
          %le3A_168 = arith.cmpi ule, %mul3A_165, %le3A_167 : vector<16xi32>
          %bitcast3A_169 = vector.bitcast %mul3A_165 : vector<16xi32> to vector<16xi32>
          %add3A_170 = arith.constant 48 : i32
          %add3A_171 = arith.addi %mul3A_121, %add3A_170 : i32
          %get3A_172 = arith.constant 1 : i32
          %get3A_173 = arith.index_cast %get3A_172 : i32 to index
          %get3A_174 = arith.index_cast %add3A_171 : i32 to index
          %get3A_175 = tpu.vector_load %arg7[%get3A_173, %get3A_174] {strides = array<i32>} : memref<2x1280xi32, #tpu.memory_space<vmem>>, vector<16xi32>,
          %get3A_176 = arith.constant 0 : i32
          %get3A_177 = arith.index_cast %get3A_176 : i32 to index
          %get3A_178 = arith.index_cast %add3A_171 : i32 to index
          %get3A_179 = tpu.vector_load %arg7[%get3A_177, %get3A_178] {strides = array<i32>} : memref<2x1280xi32, #tpu.memory_space<vmem>>, vector<16xi32>,
          %mul3A_180 = arith.constant -858993459 : i32
          %mul3A_181 = vector.broadcast %mul3A_180 : i32 to vector<16xi32>
          %mul3A_182 = arith.muli %get3A_175, %mul3A_181 : vector<16xi32>
          %le3A_183 = arith.constant 858993459 : i32
          %le3A_184 = vector.broadcast %le3A_183 : i32 to vector<16xi32>
          %le3A_185 = arith.cmpi ule, %mul3A_182, %le3A_184 : vector<16xi32>
          %bitcast3A_186 = vector.bitcast %mul3A_182 : vector<16xi32> to vector<16xi32>
          %add3A_187 = arith.constant 64 : i32
          %add3A_188 = arith.addi %mul3A_121, %add3A_187 : i32
          %get3A_189 = arith.constant 1 : i32
          %get3A_190 = arith.index_cast %get3A_189 : i32 to index
          %get3A_191 = arith.index_cast %add3A_188 : i32 to index
          %get3A_192 = tpu.vector_load %arg7[%get3A_190, %get3A_191] {strides = array<i32>} : memref<2x1280xi32, #tpu.memory_space<vmem>>, vector<16xi32>,
          %get3A_193 = arith.constant 0 : i32
          %get3A_194 = arith.index_cast %get3A_193 : i32 to index
          %get3A_195 = arith.index_cast %add3A_188 : i32 to index
          %get3A_196 = tpu.vector_load %arg7[%get3A_194, %get3A_195] {strides = array<i32>} : memref<2x1280xi32, #tpu.memory_space<vmem>>, vector<16xi32>,
          %mul3A_197 = arith.constant -858993459 : i32
          %mul3A_198 = vector.broadcast %mul3A_197 : i32 to vector<16xi32>
          %mul3A_199 = arith.muli %get3A_192, %mul3A_198 : vector<16xi32>
          %le3A_200 = arith.constant 858993459 : i32
          %le3A_201 = vector.broadcast %le3A_200 : i32 to vector<16xi32>
          %le3A_202 = arith.cmpi ule, %mul3A_199, %le3A_201 : vector<16xi32>
          %bitcast3A_203 = vector.bitcast %mul3A_199 : vector<16xi32> to vector<16xi32>
          %add3A_204 = arith.constant 80 : i32
          %add3A_205 = arith.addi %mul3A_121, %add3A_204 : i32
          %get3A_206 = arith.constant 1 : i32
          %get3A_207 = arith.index_cast %get3A_206 : i32 to index
          %get3A_208 = arith.index_cast %add3A_205 : i32 to index
          %get3A_209 = tpu.vector_load %arg7[%get3A_207, %get3A_208] {strides = array<i32>} : memref<2x1280xi32, #tpu.memory_space<vmem>>, vector<16xi32>,
          %get3A_210 = arith.constant 0 : i32
          %get3A_211 = arith.index_cast %get3A_210 : i32 to index
          %get3A_212 = arith.index_cast %add3A_205 : i32 to index
          %get3A_213 = tpu.vector_load %arg7[%get3A_211, %get3A_212] {strides = array<i32>} : memref<2x1280xi32, #tpu.memory_space<vmem>>, vector<16xi32>,
          %mul3A_214 = arith.constant -858993459 : i32
          %mul3A_215 = vector.broadcast %mul3A_214 : i32 to vector<16xi32>
          %mul3A_216 = arith.muli %get3A_209, %mul3A_215 : vector<16xi32>
          %le3A_217 = arith.constant 858993459 : i32
          %le3A_218 = vector.broadcast %le3A_217 : i32 to vector<16xi32>
          %le3A_219 = arith.cmpi ule, %mul3A_216, %le3A_218 : vector<16xi32>
          %bitcast3A_220 = vector.bitcast %mul3A_216 : vector<16xi32> to vector<16xi32>
          %add3A_221 = arith.constant 96 : i32
          %add3A_222 = arith.addi %mul3A_121, %add3A_221 : i32
          %get3A_223 = arith.constant 1 : i32
          %get3A_224 = arith.index_cast %get3A_223 : i32 to index
          %get3A_225 = arith.index_cast %add3A_222 : i32 to index
          %get3A_226 = tpu.vector_load %arg7[%get3A_224, %get3A_225] {strides = array<i32>} : memref<2x1280xi32, #tpu.memory_space<vmem>>, vector<16xi32>,
          %get3A_227 = arith.constant 0 : i32
          %get3A_228 = arith.index_cast %get3A_227 : i32 to index
          %get3A_229 = arith.index_cast %add3A_222 : i32 to index
          %get3A_230 = tpu.vector_load %arg7[%get3A_228, %get3A_229] {strides = array<i32>} : memref<2x1280xi32, #tpu.memory_space<vmem>>, vector<16xi32>,
          %mul3A_231 = arith.constant -858993459 : i32
          %mul3A_232 = vector.broadcast %mul3A_231 : i32 to vector<16xi32>
          %mul3A_233 = arith.muli %get3A_226, %mul3A_232 : vector<16xi32>
          %le3A_234 = arith.constant 858993459 : i32
          %le3A_235 = vector.broadcast %le3A_234 : i32 to vector<16xi32>
          %le3A_236 = arith.cmpi ule, %mul3A_233, %le3A_235 : vector<16xi32>
          %bitcast3A_237 = vector.bitcast %mul3A_233 : vector<16xi32> to vector<16xi32>
          %add3A_238 = arith.constant 112 : i32
          %add3A_239 = arith.addi %mul3A_121, %add3A_238 : i32
          %get3A_240 = arith.constant 1 : i32
          %get3A_241 = arith.index_cast %get3A_240 : i32 to index
          %get3A_242 = arith.index_cast %add3A_239 : i32 to index
          %get3A_243 = tpu.vector_load %arg7[%get3A_241, %get3A_242] {strides = array<i32>} : memref<2x1280xi32, #tpu.memory_space<vmem>>, vector<16xi32>,
          %get3A_244 = arith.constant 0 : i32
          %get3A_245 = arith.index_cast %get3A_244 : i32 to index
          %get3A_246 = arith.index_cast %add3A_239 : i32 to index
          %get3A_247 = tpu.vector_load %arg7[%get3A_245, %get3A_246] {strides = array<i32>} : memref<2x1280xi32, #tpu.memory_space<vmem>>, vector<16xi32>,
          %mul3A_248 = arith.constant -858993459 : i32
          %mul3A_249 = vector.broadcast %mul3A_248 : i32 to vector<16xi32>
          %mul3A_250 = arith.muli %get3A_243, %mul3A_249 : vector<16xi32>
          %le3A_251 = arith.constant 858993459 : i32
          %le3A_252 = vector.broadcast %le3A_251 : i32 to vector<16xi32>
          %le3A_253 = arith.cmpi ule, %mul3A_250, %le3A_252 : vector<16xi32>
          %bitcast3A_254 = vector.bitcast %mul3A_250 : vector<16xi32> to vector<16xi32>
          %add3A_255 = arith.constant 128 : i32
          %add3A_256 = arith.addi %mul3A_121, %add3A_255 : i32
          %get3A_257 = arith.constant 1 : i32
          %get3A_258 = arith.index_cast %get3A_257 : i32 to index
          %get3A_259 = arith.index_cast %add3A_256 : i32 to index
          %get3A_260 = tpu.vector_load %arg7[%get3A_258, %get3A_259] {strides = array<i32>} : memref<2x1280xi32, #tpu.memory_space<vmem>>, vector<16xi32>,
          %get3A_261 = arith.constant 0 : i32
          %get3A_262 = arith.index_cast %get3A_261 : i32 to index
          %get3A_263 = arith.index_cast %add3A_256 : i32 to index
          %get3A_264 = tpu.vector_load %arg7[%get3A_262, %get3A_263] {strides = array<i32>} : memref<2x1280xi32, #tpu.memory_space<vmem>>, vector<16xi32>,
          %mul3A_265 = arith.constant -858993459 : i32
          %mul3A_266 = vector.broadcast %mul3A_265 : i32 to vector<16xi32>
          %mul3A_267 = arith.muli %get3A_260, %mul3A_266 : vector<16xi32>
          %le3A_268 = arith.constant 858993459 : i32
          %le3A_269 = vector.broadcast %le3A_268 : i32 to vector<16xi32>
          %le3A_270 = arith.cmpi ule, %mul3A_267, %le3A_269 : vector<16xi32>
          %bitcast3A_271 = vector.bitcast %mul3A_267 : vector<16xi32> to vector<16xi32>
          %add3A_272 = arith.constant 144 : i32
          %add3A_273 = arith.addi %mul3A_121, %add3A_272 : i32
          %get3A_274 = arith.constant 1 : i32
          %get3A_275 = arith.index_cast %get3A_274 : i32 to index
          %get3A_276 = arith.index_cast %add3A_273 : i32 to index
          %get3A_277 = tpu.vector_load %arg7[%get3A_275, %get3A_276] {strides = array<i32>} : memref<2x1280xi32, #tpu.memory_space<vmem>>, vector<16xi32>,
          %get3A_278 = arith.constant 0 : i32
          %get3A_279 = arith.index_cast %get3A_278 : i32 to index
          %get3A_280 = arith.index_cast %add3A_273 : i32 to index
          %get3A_281 = tpu.vector_load %arg7[%get3A_279, %get3A_280] {strides = array<i32>} : memref<2x1280xi32, #tpu.memory_space<vmem>>, vector<16xi32>,
          %mul3A_282 = arith.constant -858993459 : i32
          %mul3A_283 = vector.broadcast %mul3A_282 : i32 to vector<16xi32>
          %mul3A_284 = arith.muli %get3A_277, %mul3A_283 : vector<16xi32>
          %le3A_285 = arith.constant 858993459 : i32
          %le3A_286 = vector.broadcast %le3A_285 : i32 to vector<16xi32>
          %le3A_287 = arith.cmpi ule, %mul3A_284, %le3A_286 : vector<16xi32>
          %bitcast3A_288 = vector.bitcast %mul3A_284 : vector<16xi32> to vector<16xi32>
          %add3A_289 = arith.constant 160 : i32
          %add3A_290 = arith.addi %mul3A_121, %add3A_289 : i32
          %get3A_291 = arith.constant 1 : i32
          %get3A_292 = arith.index_cast %get3A_291 : i32 to index
          %get3A_293 = arith.index_cast %add3A_290 : i32 to index
          %get3A_294 = tpu.vector_load %arg7[%get3A_292, %get3A_293] {strides = array<i32>} : memref<2x1280xi32, #tpu.memory_space<vmem>>, vector<16xi32>,
          %get3A_295 = arith.constant 0 : i32
          %get3A_296 = arith.index_cast %get3A_295 : i32 to index
          %get3A_297 = arith.index_cast %add3A_290 : i32 to index
          %get3A_298 = tpu.vector_load %arg7[%get3A_296, %get3A_297] {strides = array<i32>} : memref<2x1280xi32, #tpu.memory_space<vmem>>, vector<16xi32>,
          %mul3A_299 = arith.constant -858993459 : i32
          %mul3A_300 = vector.broadcast %mul3A_299 : i32 to vector<16xi32>
          %mul3A_301 = arith.muli %get3A_294, %mul3A_300 : vector<16xi32>
          %le3A_302 = arith.constant 858993459 : i32
          %le3A_303 = vector.broadcast %le3A_302 : i32 to vector<16xi32>
          %le3A_304 = arith.cmpi ule, %mul3A_301, %le3A_303 : vector<16xi32>
          %bitcast3A_305 = vector.bitcast %mul3A_301 : vector<16xi32> to vector<16xi32>
          %add3A_306 = arith.constant 176 : i32
          %add3A_307 = arith.addi %mul3A_121, %add3A_306 : i32
          %get3A_308 = arith.constant 1 : i32
          %get3A_309 = arith.index_cast %get3A_308 : i32 to index
          %get3A_310 = arith.index_cast %add3A_307 : i32 to index
          %get3A_311 = tpu.vector_load %arg7[%get3A_309, %get3A_310] {strides = array<i32>} : memref<2x1280xi32, #tpu.memory_space<vmem>>, vector<16xi32>,
          %get3A_312 = arith.constant 0 : i32
          %get3A_313 = arith.index_cast %get3A_312 : i32 to index
          %get3A_314 = arith.index_cast %add3A_307 : i32 to index
          %get3A_315 = tpu.vector_load %arg7[%get3A_313, %get3A_314] {strides = array<i32>} : memref<2x1280xi32, #tpu.memory_space<vmem>>, vector<16xi32>,
          %mul3A_316 = arith.constant -858993459 : i32
          %mul3A_317 = vector.broadcast %mul3A_316 : i32 to vector<16xi32>
          %mul3A_318 = arith.muli %get3A_311, %mul3A_317 : vector<16xi32>
          %le3A_319 = arith.constant 858993459 : i32
          %le3A_320 = vector.broadcast %le3A_319 : i32 to vector<16xi32>
          %le3A_321 = arith.cmpi ule, %mul3A_318, %le3A_320 : vector<16xi32>
          %bitcast3A_322 = vector.bitcast %mul3A_318 : vector<16xi32> to vector<16xi32>
          %add3A_323 = arith.constant 192 : i32
          %add3A_324 = arith.addi %mul3A_121, %add3A_323 : i32
          %get3A_325 = arith.constant 1 : i32
          %get3A_326 = arith.index_cast %get3A_325 : i32 to index
          %get3A_327 = arith.index_cast %add3A_324 : i32 to index
          %get3A_328 = tpu.vector_load %arg7[%get3A_326, %get3A_327] {strides = array<i32>} : memref<2x1280xi32, #tpu.memory_space<vmem>>, vector<16xi32>,
          %get3A_329 = arith.constant 0 : i32
          %get3A_330 = arith.index_cast %get3A_329 : i32 to index
          %get3A_331 = arith.index_cast %add3A_324 : i32 to index
          %get3A_332 = tpu.vector_load %arg7[%get3A_330, %get3A_331] {strides = array<i32>} : memref<2x1280xi32, #tpu.memory_space<vmem>>, vector<16xi32>,
          %mul3A_333 = arith.constant -858993459 : i32
          %mul3A_334 = vector.broadcast %mul3A_333 : i32 to vector<16xi32>
          %mul3A_335 = arith.muli %get3A_328, %mul3A_334 : vector<16xi32>
          %le3A_336 = arith.constant 858993459 : i32
          %le3A_337 = vector.broadcast %le3A_336 : i32 to vector<16xi32>
          %le3A_338 = arith.cmpi ule, %mul3A_335, %le3A_337 : vector<16xi32>
          %bitcast3A_339 = vector.bitcast %mul3A_335 : vector<16xi32> to vector<16xi32>
          %add3A_340 = arith.constant 208 : i32
          %add3A_341 = arith.addi %mul3A_121, %add3A_340 : i32
          %get3A_342 = arith.constant 1 : i32
          %get3A_343 = arith.index_cast %get3A_342 : i32 to index
          %get3A_344 = arith.index_cast %add3A_341 : i32 to index
          %get3A_345 = tpu.vector_load %arg7[%get3A_343, %get3A_344] {strides = array<i32>} : memref<2x1280xi32, #tpu.memory_space<vmem>>, vector<16xi32>,
          %get3A_346 = arith.constant 0 : i32
          %get3A_347 = arith.index_cast %get3A_346 : i32 to index
          %get3A_348 = arith.index_cast %add3A_341 : i32 to index
          %get3A_349 = tpu.vector_load %arg7[%get3A_347, %get3A_348] {strides = array<i32>} : memref<2x1280xi32, #tpu.memory_space<vmem>>, vector<16xi32>,
          %mul3A_350 = arith.constant -858993459 : i32
          %mul3A_351 = vector.broadcast %mul3A_350 : i32 to vector<16xi32>
          %mul3A_352 = arith.muli %get3A_345, %mul3A_351 : vector<16xi32>
          %le3A_353 = arith.constant 858993459 : i32
          %le3A_354 = vector.broadcast %le3A_353 : i32 to vector<16xi32>
          %le3A_355 = arith.cmpi ule, %mul3A_352, %le3A_354 : vector<16xi32>
          %bitcast3A_356 = vector.bitcast %mul3A_352 : vector<16xi32> to vector<16xi32>
          %add3A_357 = arith.constant 224 : i32
          %add3A_358 = arith.addi %mul3A_121, %add3A_357 : i32
          %get3A_359 = arith.constant 1 : i32
          %get3A_360 = arith.index_cast %get3A_359 : i32 to index
          %get3A_361 = arith.index_cast %add3A_358 : i32 to index
          %get3A_362 = tpu.vector_load %arg7[%get3A_360, %get3A_361] {strides = array<i32>} : memref<2x1280xi32, #tpu.memory_space<vmem>>, vector<16xi32>,
          %get3A_363 = arith.constant 0 : i32
          %get3A_364 = arith.index_cast %get3A_363 : i32 to index
          %get3A_365 = arith.index_cast %add3A_358 : i32 to index
          %get3A_366 = tpu.vector_load %arg7[%get3A_364, %get3A_365] {strides = array<i32>} : memref<2x1280xi32, #tpu.memory_space<vmem>>, vector<16xi32>,
          %mul3A_367 = arith.constant -858993459 : i32
          %mul3A_368 = vector.broadcast %mul3A_367 : i32 to vector<16xi32>
          %mul3A_369 = arith.muli %get3A_362, %mul3A_368 : vector<16xi32>
          %le3A_370 = arith.constant 858993459 : i32
          %le3A_371 = vector.broadcast %le3A_370 : i32 to vector<16xi32>
          %le3A_372 = arith.cmpi ule, %mul3A_369, %le3A_371 : vector<16xi32>
          %bitcast3A_373 = vector.bitcast %mul3A_369 : vector<16xi32> to vector<16xi32>
          %add3A_374 = arith.constant 240 : i32
          %add3A_375 = arith.addi %mul3A_121, %add3A_374 : i32
          %get3A_376 = arith.constant 1 : i32
          %get3A_377 = arith.index_cast %get3A_376 : i32 to index
          %get3A_378 = arith.index_cast %add3A_375 : i32 to index
          %get3A_379 = tpu.vector_load %arg7[%get3A_377, %get3A_378] {strides = array<i32>} : memref<2x1280xi32, #tpu.memory_space<vmem>>, vector<16xi32>,
          %get3A_380 = arith.constant 0 : i32
          %get3A_381 = arith.index_cast %get3A_380 : i32 to index
          %get3A_382 = arith.index_cast %add3A_375 : i32 to index
          %get3A_383 = tpu.vector_load %arg7[%get3A_381, %get3A_382] {strides = array<i32>} : memref<2x1280xi32, #tpu.memory_space<vmem>>, vector<16xi32>,
          %mul3A_384 = arith.constant -858993459 : i32
          %mul3A_385 = vector.broadcast %mul3A_384 : i32 to vector<16xi32>
          %mul3A_386 = arith.muli %get3A_379, %mul3A_385 : vector<16xi32>
          %le3A_387 = arith.constant 858993459 : i32
          %le3A_388 = vector.broadcast %le3A_387 : i32 to vector<16xi32>
          %le3A_389 = arith.cmpi ule, %mul3A_386, %le3A_388 : vector<16xi32>
          %bitcast3A_390 = vector.bitcast %mul3A_386 : vector<16xi32> to vector<16xi32>
          %gather3A = tpu.vector_load_idx %arg5[%get3A_130] masked %le3A_135 : memref<100000xf32, #tpu.memory_space<vmem>>[vector<16xi32>], vector<16xf32>, vector<16xi1>
          %gather3A_391 = tpu.vector_load_idx %arg5[%get3A_145] masked %le3A_151 : memref<100000xf32, #tpu.memory_space<vmem>>[vector<16xi32>], vector<16xf32>, vector<16xi1>
          %gather3A_392 = tpu.vector_load_idx %arg5[%get3A_162] masked %le3A_168 : memref<100000xf32, #tpu.memory_space<vmem>>[vector<16xi32>], vector<16xf32>, vector<16xi1>
          %gather3A_393 = tpu.vector_load_idx %arg5[%get3A_179] masked %le3A_185 : memref<100000xf32, #tpu.memory_space<vmem>>[vector<16xi32>], vector<16xf32>, vector<16xi1>
          %gather3A_394 = tpu.vector_load_idx %arg5[%get3A_196] masked %le3A_202 : memref<100000xf32, #tpu.memory_space<vmem>>[vector<16xi32>], vector<16xf32>, vector<16xi1>
          %gather3A_395 = tpu.vector_load_idx %arg5[%get3A_213] masked %le3A_219 : memref<100000xf32, #tpu.memory_space<vmem>>[vector<16xi32>], vector<16xf32>, vector<16xi1>
          %gather3A_396 = tpu.vector_load_idx %arg5[%get3A_230] masked %le3A_236 : memref<100000xf32, #tpu.memory_space<vmem>>[vector<16xi32>], vector<16xf32>, vector<16xi1>
          %gather3A_397 = tpu.vector_load_idx %arg5[%get3A_247] masked %le3A_253 : memref<100000xf32, #tpu.memory_space<vmem>>[vector<16xi32>], vector<16xf32>, vector<16xi1>
          %gather3A_398 = tpu.vector_load_idx %arg5[%get3A_264] masked %le3A_270 : memref<100000xf32, #tpu.memory_space<vmem>>[vector<16xi32>], vector<16xf32>, vector<16xi1>
          %gather3A_399 = tpu.vector_load_idx %arg5[%get3A_281] masked %le3A_287 : memref<100000xf32, #tpu.memory_space<vmem>>[vector<16xi32>], vector<16xf32>, vector<16xi1>
          %gather3A_400 = tpu.vector_load_idx %arg5[%get3A_298] masked %le3A_304 : memref<100000xf32, #tpu.memory_space<vmem>>[vector<16xi32>], vector<16xf32>, vector<16xi1>
          %gather3A_401 = tpu.vector_load_idx %arg5[%get3A_315] masked %le3A_321 : memref<100000xf32, #tpu.memory_space<vmem>>[vector<16xi32>], vector<16xf32>, vector<16xi1>
          %gather3A_402 = tpu.vector_load_idx %arg5[%get3A_332] masked %le3A_338 : memref<100000xf32, #tpu.memory_space<vmem>>[vector<16xi32>], vector<16xf32>, vector<16xi1>
          %gather3A_403 = tpu.vector_load_idx %arg5[%get3A_349] masked %le3A_355 : memref<100000xf32, #tpu.memory_space<vmem>>[vector<16xi32>], vector<16xf32>, vector<16xi1>
          %gather3A_404 = tpu.vector_load_idx %arg5[%get3A_366] masked %le3A_372 : memref<100000xf32, #tpu.memory_space<vmem>>[vector<16xi32>], vector<16xf32>, vector<16xi1>
          %gather3A_405 = tpu.vector_load_idx %arg5[%get3A_383] masked %le3A_389 : memref<100000xf32, #tpu.memory_space<vmem>>[vector<16xi32>], vector<16xf32>, vector<16xi1>
          tpu.vector_store_idx %arg6[%bitcast3A], %gather3A masked %le3A_135 {add = true} : memref<20000xf32, #tpu.memory_space<vmem>>[vector<16xi32>], vector<16xf32>, vector<16xi1>
          tpu.vector_store_idx %arg6[%bitcast3A_152], %gather3A_391 masked %le3A_151 {add = true} : memref<20000xf32, #tpu.memory_space<vmem>>[vector<16xi32>], vector<16xf32>, vector<16xi1>
          tpu.vector_store_idx %arg6[%bitcast3A_169], %gather3A_392 masked %le3A_168 {add = true} : memref<20000xf32, #tpu.memory_space<vmem>>[vector<16xi32>], vector<16xf32>, vector<16xi1>
          tpu.vector_store_idx %arg6[%bitcast3A_186], %gather3A_393 masked %le3A_185 {add = true} : memref<20000xf32, #tpu.memory_space<vmem>>[vector<16xi32>], vector<16xf32>, vector<16xi1>
          tpu.vector_store_idx %arg6[%bitcast3A_203], %gather3A_394 masked %le3A_202 {add = true} : memref<20000xf32, #tpu.memory_space<vmem>>[vector<16xi32>], vector<16xf32>, vector<16xi1>
          tpu.vector_store_idx %arg6[%bitcast3A_220], %gather3A_395 masked %le3A_219 {add = true} : memref<20000xf32, #tpu.memory_space<vmem>>[vector<16xi32>], vector<16xf32>, vector<16xi1>
          tpu.vector_store_idx %arg6[%bitcast3A_237], %gather3A_396 masked %le3A_236 {add = true} : memref<20000xf32, #tpu.memory_space<vmem>>[vector<16xi32>], vector<16xf32>, vector<16xi1>
          tpu.vector_store_idx %arg6[%bitcast3A_254], %gather3A_397 masked %le3A_253 {add = true} : memref<20000xf32, #tpu.memory_space<vmem>>[vector<16xi32>], vector<16xf32>, vector<16xi1>
          tpu.vector_store_idx %arg6[%bitcast3A_271], %gather3A_398 masked %le3A_270 {add = true} : memref<20000xf32, #tpu.memory_space<vmem>>[vector<16xi32>], vector<16xf32>, vector<16xi1>
          tpu.vector_store_idx %arg6[%bitcast3A_288], %gather3A_399 masked %le3A_287 {add = true} : memref<20000xf32, #tpu.memory_space<vmem>>[vector<16xi32>], vector<16xf32>, vector<16xi1>
          tpu.vector_store_idx %arg6[%bitcast3A_305], %gather3A_400 masked %le3A_304 {add = true} : memref<20000xf32, #tpu.memory_space<vmem>>[vector<16xi32>], vector<16xf32>, vector<16xi1>
          tpu.vector_store_idx %arg6[%bitcast3A_322], %gather3A_401 masked %le3A_321 {add = true} : memref<20000xf32, #tpu.memory_space<vmem>>[vector<16xi32>], vector<16xf32>, vector<16xi1>
          tpu.vector_store_idx %arg6[%bitcast3A_339], %gather3A_402 masked %le3A_338 {add = true} : memref<20000xf32, #tpu.memory_space<vmem>>[vector<16xi32>], vector<16xf32>, vector<16xi1>
          tpu.vector_store_idx %arg6[%bitcast3A_356], %gather3A_403 masked %le3A_355 {add = true} : memref<20000xf32, #tpu.memory_space<vmem>>[vector<16xi32>], vector<16xf32>, vector<16xi1>
          tpu.vector_store_idx %arg6[%bitcast3A_373], %gather3A_404 masked %le3A_372 {add = true} : memref<20000xf32, #tpu.memory_space<vmem>>[vector<16xi32>], vector<16xf32>, vector<16xi1>
          tpu.vector_store_idx %arg6[%bitcast3A_390], %gather3A_405 masked %le3A_389 {add = true} : memref<20000xf32, #tpu.memory_space<vmem>>[vector<16xi32>], vector<16xf32>, vector<16xi1>
        }
        %scan3A_111 = arith.constant 5 : i32
        %add3A_112 = arith.constant 128 : i32
        %add3A_113 = arith.addi %add3A_62, %add3A_112 : i32
        %lt3A_114 = arith.constant 5000 : i32
        %lt3A_115 = arith.cmpi slt, %add3A_113, %lt3A_114 : i32
        %convert_element_type3A_116 = arith.extui %lt3A_115 : i1 to i32
        %cond3A_117 = arith.constant 0 : i32
        %cond3A_118 = arith.cmpi ne, %convert_element_type3A_116, %cond3A_117 : i32
        scf.if %cond3A_118 {
          %mul3A_119 = arith.constant 1280 : i32
          %mul3A_120 = arith.muli %add3A_113, %mul3A_119 : i32
          %dma_start3A_121 = arith.constant 0 : i32
          %dma_start3A_122 = tpu.memref_slice %arg3[%dma_start3A_121, %mul3A_120] : memref<2x6400000xi32, #tpu.memory_space<hbm>> -> memref<2x1280xi32, #tpu.memory_space<hbm>>
          %dma_start3A_123 = arith.constant 0 : i32
          %dma_start3A_124 = tpu.memref_slice %arg3[%dma_start3A_123, %mul3A_120] : memref<2x6400000xi32, #tpu.memory_space<hbm>> -> memref<2x1280xi32, #tpu.memory_space<hbm>>
          tpu.enqueue_dma source(%dma_start3A_124 : memref<2x1280xi32, #tpu.memory_space<hbm>>) target(%arg7 : memref<2x1280xi32, #tpu.memory_space<vmem>>) target_semaphore(%arg12 : memref<!tpu.dma_semaphore, #tpu.memory_space<semaphore_mem>>)
        } else {
        }
      } else {
      }
      %mul3A_65 = arith.constant 4 : i32
      %mul3A_66 = arith.muli %scan3A_55, %mul3A_65 : i32
      %add3A_67 = arith.constant 1 : i32
      %add3A_68 = arith.addi %mul3A_66, %add3A_67 : i32
      %mul3A_69 = arith.constant 32 : i32
      %mul3A_70 = arith.muli %mul3A_69, %add3A_68 : i32
      %add3A_71 = arith.addi %add3A, %mul3A_70 : i32
      %lt3A_72 = arith.constant 5000 : i32
      %lt3A_73 = arith.cmpi slt, %add3A_71, %lt3A_72 : i32
      %convert_element_type3A_74 = arith.extui %lt3A_73 : i1 to i32
      %cond3A_75 = arith.constant 0 : i32
      %cond3A_76 = arith.cmpi ne, %convert_element_type3A_74, %cond3A_75 : i32
      scf.if %cond3A_76 {
        %dma_wait3A = arith.constant 0 : i32
        %dma_wait3A_101 = arith.constant 0 : i32
        %dma_wait3A_102 = tpu.memref_slice %arg3[%dma_wait3A, %dma_wait3A_101] : memref<2x6400000xi32, #tpu.memory_space<hbm>> -> memref<2x1280xi32, #tpu.memory_space<hbm>>
        %dma_wait3A_103 = arith.constant 0 : i32
        %dma_wait3A_104 = arith.constant 0 : i32
        %dma_wait3A_105 = tpu.memref_slice %arg3[%dma_wait3A_103, %dma_wait3A_104] : memref<2x6400000xi32, #tpu.memory_space<hbm>> -> memref<2x1280xi32, #tpu.memory_space<hbm>>
        tpu.wait_dma2 semaphore(%arg13 : memref<!tpu.dma_semaphore, #tpu.memory_space<semaphore_mem>>) src(%dma_wait3A_105 : memref<2x1280xi32, #tpu.memory_space<hbm>>) dst(%arg8 : memref<2x1280xi32, #tpu.memory_space<vmem>>)
        %scan3A_106 = arith.constant 0 : i32
        %scan3A_107 = arith.constant 0 : i32
        %scan3A_108 = arith.constant 5 : i32
        %scan3A_109 = arith.addi %scan3A_107, %scan3A_108 : i32
        %scan3A_110 = arith.constant 1 : i32
        scf.for %scan3A_119 = %scan3A_107 to %scan3A_109 step %scan3A_110  : i32 {
          %mul3A_120 = arith.constant 256 : i32
          %mul3A_121 = arith.muli %scan3A_119, %mul3A_120 : i32
          %add3A_122 = arith.constant 0 : i32
          %add3A_123 = arith.addi %mul3A_121, %add3A_122 : i32
          %get3A = arith.constant 1 : i32
          %get3A_124 = arith.index_cast %get3A : i32 to index
          %get3A_125 = arith.index_cast %add3A_123 : i32 to index
          %get3A_126 = tpu.vector_load %arg8[%get3A_124, %get3A_125] {strides = array<i32>} : memref<2x1280xi32, #tpu.memory_space<vmem>>, vector<16xi32>,
          %get3A_127 = arith.constant 0 : i32
          %get3A_128 = arith.index_cast %get3A_127 : i32 to index
          %get3A_129 = arith.index_cast %add3A_123 : i32 to index
          %get3A_130 = tpu.vector_load %arg8[%get3A_128, %get3A_129] {strides = array<i32>} : memref<2x1280xi32, #tpu.memory_space<vmem>>, vector<16xi32>,
          %mul3A_131 = arith.constant -858993459 : i32
          %mul3A_132 = vector.broadcast %mul3A_131 : i32 to vector<16xi32>
          %mul3A_133 = arith.muli %get3A_126, %mul3A_132 : vector<16xi32>
          %le3A = arith.constant 858993459 : i32
          %le3A_134 = vector.broadcast %le3A : i32 to vector<16xi32>
          %le3A_135 = arith.cmpi ule, %mul3A_133, %le3A_134 : vector<16xi32>
          %bitcast3A = vector.bitcast %mul3A_133 : vector<16xi32> to vector<16xi32>
          %add3A_136 = arith.constant 16 : i32
          %add3A_137 = arith.addi %mul3A_121, %add3A_136 : i32
          %get3A_138 = arith.constant 1 : i32
          %get3A_139 = arith.index_cast %get3A_138 : i32 to index
          %get3A_140 = arith.index_cast %add3A_137 : i32 to index
          %get3A_141 = tpu.vector_load %arg8[%get3A_139, %get3A_140] {strides = array<i32>} : memref<2x1280xi32, #tpu.memory_space<vmem>>, vector<16xi32>,
          %get3A_142 = arith.constant 0 : i32
          %get3A_143 = arith.index_cast %get3A_142 : i32 to index
          %get3A_144 = arith.index_cast %add3A_137 : i32 to index
          %get3A_145 = tpu.vector_load %arg8[%get3A_143, %get3A_144] {strides = array<i32>} : memref<2x1280xi32, #tpu.memory_space<vmem>>, vector<16xi32>,
          %mul3A_146 = arith.constant -858993459 : i32
          %mul3A_147 = vector.broadcast %mul3A_146 : i32 to vector<16xi32>
          %mul3A_148 = arith.muli %get3A_141, %mul3A_147 : vector<16xi32>
          %le3A_149 = arith.constant 858993459 : i32
          %le3A_150 = vector.broadcast %le3A_149 : i32 to vector<16xi32>
          %le3A_151 = arith.cmpi ule, %mul3A_148, %le3A_150 : vector<16xi32>
          %bitcast3A_152 = vector.bitcast %mul3A_148 : vector<16xi32> to vector<16xi32>
          %add3A_153 = arith.constant 32 : i32
          %add3A_154 = arith.addi %mul3A_121, %add3A_153 : i32
          %get3A_155 = arith.constant 1 : i32
          %get3A_156 = arith.index_cast %get3A_155 : i32 to index
          %get3A_157 = arith.index_cast %add3A_154 : i32 to index
          %get3A_158 = tpu.vector_load %arg8[%get3A_156, %get3A_157] {strides = array<i32>} : memref<2x1280xi32, #tpu.memory_space<vmem>>, vector<16xi32>,
          %get3A_159 = arith.constant 0 : i32
          %get3A_160 = arith.index_cast %get3A_159 : i32 to index
          %get3A_161 = arith.index_cast %add3A_154 : i32 to index
          %get3A_162 = tpu.vector_load %arg8[%get3A_160, %get3A_161] {strides = array<i32>} : memref<2x1280xi32, #tpu.memory_space<vmem>>, vector<16xi32>,
          %mul3A_163 = arith.constant -858993459 : i32
          %mul3A_164 = vector.broadcast %mul3A_163 : i32 to vector<16xi32>
          %mul3A_165 = arith.muli %get3A_158, %mul3A_164 : vector<16xi32>
          %le3A_166 = arith.constant 858993459 : i32
          %le3A_167 = vector.broadcast %le3A_166 : i32 to vector<16xi32>
          %le3A_168 = arith.cmpi ule, %mul3A_165, %le3A_167 : vector<16xi32>
          %bitcast3A_169 = vector.bitcast %mul3A_165 : vector<16xi32> to vector<16xi32>
          %add3A_170 = arith.constant 48 : i32
          %add3A_171 = arith.addi %mul3A_121, %add3A_170 : i32
          %get3A_172 = arith.constant 1 : i32
          %get3A_173 = arith.index_cast %get3A_172 : i32 to index
          %get3A_174 = arith.index_cast %add3A_171 : i32 to index
          %get3A_175 = tpu.vector_load %arg8[%get3A_173, %get3A_174] {strides = array<i32>} : memref<2x1280xi32, #tpu.memory_space<vmem>>, vector<16xi32>,
          %get3A_176 = arith.constant 0 : i32
          %get3A_177 = arith.index_cast %get3A_176 : i32 to index
          %get3A_178 = arith.index_cast %add3A_171 : i32 to index
          %get3A_179 = tpu.vector_load %arg8[%get3A_177, %get3A_178] {strides = array<i32>} : memref<2x1280xi32, #tpu.memory_space<vmem>>, vector<16xi32>,
          %mul3A_180 = arith.constant -858993459 : i32
          %mul3A_181 = vector.broadcast %mul3A_180 : i32 to vector<16xi32>
          %mul3A_182 = arith.muli %get3A_175, %mul3A_181 : vector<16xi32>
          %le3A_183 = arith.constant 858993459 : i32
          %le3A_184 = vector.broadcast %le3A_183 : i32 to vector<16xi32>
          %le3A_185 = arith.cmpi ule, %mul3A_182, %le3A_184 : vector<16xi32>
          %bitcast3A_186 = vector.bitcast %mul3A_182 : vector<16xi32> to vector<16xi32>
          %add3A_187 = arith.constant 64 : i32
          %add3A_188 = arith.addi %mul3A_121, %add3A_187 : i32
          %get3A_189 = arith.constant 1 : i32
          %get3A_190 = arith.index_cast %get3A_189 : i32 to index
          %get3A_191 = arith.index_cast %add3A_188 : i32 to index
          %get3A_192 = tpu.vector_load %arg8[%get3A_190, %get3A_191] {strides = array<i32>} : memref<2x1280xi32, #tpu.memory_space<vmem>>, vector<16xi32>,
          %get3A_193 = arith.constant 0 : i32
          %get3A_194 = arith.index_cast %get3A_193 : i32 to index
          %get3A_195 = arith.index_cast %add3A_188 : i32 to index
          %get3A_196 = tpu.vector_load %arg8[%get3A_194, %get3A_195] {strides = array<i32>} : memref<2x1280xi32, #tpu.memory_space<vmem>>, vector<16xi32>,
          %mul3A_197 = arith.constant -858993459 : i32
          %mul3A_198 = vector.broadcast %mul3A_197 : i32 to vector<16xi32>
          %mul3A_199 = arith.muli %get3A_192, %mul3A_198 : vector<16xi32>
          %le3A_200 = arith.constant 858993459 : i32
          %le3A_201 = vector.broadcast %le3A_200 : i32 to vector<16xi32>
          %le3A_202 = arith.cmpi ule, %mul3A_199, %le3A_201 : vector<16xi32>
          %bitcast3A_203 = vector.bitcast %mul3A_199 : vector<16xi32> to vector<16xi32>
          %add3A_204 = arith.constant 80 : i32
          %add3A_205 = arith.addi %mul3A_121, %add3A_204 : i32
          %get3A_206 = arith.constant 1 : i32
          %get3A_207 = arith.index_cast %get3A_206 : i32 to index
          %get3A_208 = arith.index_cast %add3A_205 : i32 to index
          %get3A_209 = tpu.vector_load %arg8[%get3A_207, %get3A_208] {strides = array<i32>} : memref<2x1280xi32, #tpu.memory_space<vmem>>, vector<16xi32>,
          %get3A_210 = arith.constant 0 : i32
          %get3A_211 = arith.index_cast %get3A_210 : i32 to index
          %get3A_212 = arith.index_cast %add3A_205 : i32 to index
          %get3A_213 = tpu.vector_load %arg8[%get3A_211, %get3A_212] {strides = array<i32>} : memref<2x1280xi32, #tpu.memory_space<vmem>>, vector<16xi32>,
          %mul3A_214 = arith.constant -858993459 : i32
          %mul3A_215 = vector.broadcast %mul3A_214 : i32 to vector<16xi32>
          %mul3A_216 = arith.muli %get3A_209, %mul3A_215 : vector<16xi32>
          %le3A_217 = arith.constant 858993459 : i32
          %le3A_218 = vector.broadcast %le3A_217 : i32 to vector<16xi32>
          %le3A_219 = arith.cmpi ule, %mul3A_216, %le3A_218 : vector<16xi32>
          %bitcast3A_220 = vector.bitcast %mul3A_216 : vector<16xi32> to vector<16xi32>
          %add3A_221 = arith.constant 96 : i32
          %add3A_222 = arith.addi %mul3A_121, %add3A_221 : i32
          %get3A_223 = arith.constant 1 : i32
          %get3A_224 = arith.index_cast %get3A_223 : i32 to index
          %get3A_225 = arith.index_cast %add3A_222 : i32 to index
          %get3A_226 = tpu.vector_load %arg8[%get3A_224, %get3A_225] {strides = array<i32>} : memref<2x1280xi32, #tpu.memory_space<vmem>>, vector<16xi32>,
          %get3A_227 = arith.constant 0 : i32
          %get3A_228 = arith.index_cast %get3A_227 : i32 to index
          %get3A_229 = arith.index_cast %add3A_222 : i32 to index
          %get3A_230 = tpu.vector_load %arg8[%get3A_228, %get3A_229] {strides = array<i32>} : memref<2x1280xi32, #tpu.memory_space<vmem>>, vector<16xi32>,
          %mul3A_231 = arith.constant -858993459 : i32
          %mul3A_232 = vector.broadcast %mul3A_231 : i32 to vector<16xi32>
          %mul3A_233 = arith.muli %get3A_226, %mul3A_232 : vector<16xi32>
          %le3A_234 = arith.constant 858993459 : i32
          %le3A_235 = vector.broadcast %le3A_234 : i32 to vector<16xi32>
          %le3A_236 = arith.cmpi ule, %mul3A_233, %le3A_235 : vector<16xi32>
          %bitcast3A_237 = vector.bitcast %mul3A_233 : vector<16xi32> to vector<16xi32>
          %add3A_238 = arith.constant 112 : i32
          %add3A_239 = arith.addi %mul3A_121, %add3A_238 : i32
          %get3A_240 = arith.constant 1 : i32
          %get3A_241 = arith.index_cast %get3A_240 : i32 to index
          %get3A_242 = arith.index_cast %add3A_239 : i32 to index
          %get3A_243 = tpu.vector_load %arg8[%get3A_241, %get3A_242] {strides = array<i32>} : memref<2x1280xi32, #tpu.memory_space<vmem>>, vector<16xi32>,
          %get3A_244 = arith.constant 0 : i32
          %get3A_245 = arith.index_cast %get3A_244 : i32 to index
          %get3A_246 = arith.index_cast %add3A_239 : i32 to index
          %get3A_247 = tpu.vector_load %arg8[%get3A_245, %get3A_246] {strides = array<i32>} : memref<2x1280xi32, #tpu.memory_space<vmem>>, vector<16xi32>,
          %mul3A_248 = arith.constant -858993459 : i32
          %mul3A_249 = vector.broadcast %mul3A_248 : i32 to vector<16xi32>
          %mul3A_250 = arith.muli %get3A_243, %mul3A_249 : vector<16xi32>
          %le3A_251 = arith.constant 858993459 : i32
          %le3A_252 = vector.broadcast %le3A_251 : i32 to vector<16xi32>
          %le3A_253 = arith.cmpi ule, %mul3A_250, %le3A_252 : vector<16xi32>
          %bitcast3A_254 = vector.bitcast %mul3A_250 : vector<16xi32> to vector<16xi32>
          %add3A_255 = arith.constant 128 : i32
          %add3A_256 = arith.addi %mul3A_121, %add3A_255 : i32
          %get3A_257 = arith.constant 1 : i32
          %get3A_258 = arith.index_cast %get3A_257 : i32 to index
          %get3A_259 = arith.index_cast %add3A_256 : i32 to index
          %get3A_260 = tpu.vector_load %arg8[%get3A_258, %get3A_259] {strides = array<i32>} : memref<2x1280xi32, #tpu.memory_space<vmem>>, vector<16xi32>,
          %get3A_261 = arith.constant 0 : i32
          %get3A_262 = arith.index_cast %get3A_261 : i32 to index
          %get3A_263 = arith.index_cast %add3A_256 : i32 to index
          %get3A_264 = tpu.vector_load %arg8[%get3A_262, %get3A_263] {strides = array<i32>} : memref<2x1280xi32, #tpu.memory_space<vmem>>, vector<16xi32>,
          %mul3A_265 = arith.constant -858993459 : i32
          %mul3A_266 = vector.broadcast %mul3A_265 : i32 to vector<16xi32>
          %mul3A_267 = arith.muli %get3A_260, %mul3A_266 : vector<16xi32>
          %le3A_268 = arith.constant 858993459 : i32
          %le3A_269 = vector.broadcast %le3A_268 : i32 to vector<16xi32>
          %le3A_270 = arith.cmpi ule, %mul3A_267, %le3A_269 : vector<16xi32>
          %bitcast3A_271 = vector.bitcast %mul3A_267 : vector<16xi32> to vector<16xi32>
          %add3A_272 = arith.constant 144 : i32
          %add3A_273 = arith.addi %mul3A_121, %add3A_272 : i32
          %get3A_274 = arith.constant 1 : i32
          %get3A_275 = arith.index_cast %get3A_274 : i32 to index
          %get3A_276 = arith.index_cast %add3A_273 : i32 to index
          %get3A_277 = tpu.vector_load %arg8[%get3A_275, %get3A_276] {strides = array<i32>} : memref<2x1280xi32, #tpu.memory_space<vmem>>, vector<16xi32>,
          %get3A_278 = arith.constant 0 : i32
          %get3A_279 = arith.index_cast %get3A_278 : i32 to index
          %get3A_280 = arith.index_cast %add3A_273 : i32 to index
          %get3A_281 = tpu.vector_load %arg8[%get3A_279, %get3A_280] {strides = array<i32>} : memref<2x1280xi32, #tpu.memory_space<vmem>>, vector<16xi32>,
          %mul3A_282 = arith.constant -858993459 : i32
          %mul3A_283 = vector.broadcast %mul3A_282 : i32 to vector<16xi32>
          %mul3A_284 = arith.muli %get3A_277, %mul3A_283 : vector<16xi32>
          %le3A_285 = arith.constant 858993459 : i32
          %le3A_286 = vector.broadcast %le3A_285 : i32 to vector<16xi32>
          %le3A_287 = arith.cmpi ule, %mul3A_284, %le3A_286 : vector<16xi32>
          %bitcast3A_288 = vector.bitcast %mul3A_284 : vector<16xi32> to vector<16xi32>
          %add3A_289 = arith.constant 160 : i32
          %add3A_290 = arith.addi %mul3A_121, %add3A_289 : i32
          %get3A_291 = arith.constant 1 : i32
          %get3A_292 = arith.index_cast %get3A_291 : i32 to index
          %get3A_293 = arith.index_cast %add3A_290 : i32 to index
          %get3A_294 = tpu.vector_load %arg8[%get3A_292, %get3A_293] {strides = array<i32>} : memref<2x1280xi32, #tpu.memory_space<vmem>>, vector<16xi32>,
          %get3A_295 = arith.constant 0 : i32
          %get3A_296 = arith.index_cast %get3A_295 : i32 to index
          %get3A_297 = arith.index_cast %add3A_290 : i32 to index
          %get3A_298 = tpu.vector_load %arg8[%get3A_296, %get3A_297] {strides = array<i32>} : memref<2x1280xi32, #tpu.memory_space<vmem>>, vector<16xi32>,
          %mul3A_299 = arith.constant -858993459 : i32
          %mul3A_300 = vector.broadcast %mul3A_299 : i32 to vector<16xi32>
          %mul3A_301 = arith.muli %get3A_294, %mul3A_300 : vector<16xi32>
          %le3A_302 = arith.constant 858993459 : i32
          %le3A_303 = vector.broadcast %le3A_302 : i32 to vector<16xi32>
          %le3A_304 = arith.cmpi ule, %mul3A_301, %le3A_303 : vector<16xi32>
          %bitcast3A_305 = vector.bitcast %mul3A_301 : vector<16xi32> to vector<16xi32>
          %add3A_306 = arith.constant 176 : i32
          %add3A_307 = arith.addi %mul3A_121, %add3A_306 : i32
          %get3A_308 = arith.constant 1 : i32
          %get3A_309 = arith.index_cast %get3A_308 : i32 to index
          %get3A_310 = arith.index_cast %add3A_307 : i32 to index
          %get3A_311 = tpu.vector_load %arg8[%get3A_309, %get3A_310] {strides = array<i32>} : memref<2x1280xi32, #tpu.memory_space<vmem>>, vector<16xi32>,
          %get3A_312 = arith.constant 0 : i32
          %get3A_313 = arith.index_cast %get3A_312 : i32 to index
          %get3A_314 = arith.index_cast %add3A_307 : i32 to index
          %get3A_315 = tpu.vector_load %arg8[%get3A_313, %get3A_314] {strides = array<i32>} : memref<2x1280xi32, #tpu.memory_space<vmem>>, vector<16xi32>,
          %mul3A_316 = arith.constant -858993459 : i32
          %mul3A_317 = vector.broadcast %mul3A_316 : i32 to vector<16xi32>
          %mul3A_318 = arith.muli %get3A_311, %mul3A_317 : vector<16xi32>
          %le3A_319 = arith.constant 858993459 : i32
          %le3A_320 = vector.broadcast %le3A_319 : i32 to vector<16xi32>
          %le3A_321 = arith.cmpi ule, %mul3A_318, %le3A_320 : vector<16xi32>
          %bitcast3A_322 = vector.bitcast %mul3A_318 : vector<16xi32> to vector<16xi32>
          %add3A_323 = arith.constant 192 : i32
          %add3A_324 = arith.addi %mul3A_121, %add3A_323 : i32
          %get3A_325 = arith.constant 1 : i32
          %get3A_326 = arith.index_cast %get3A_325 : i32 to index
          %get3A_327 = arith.index_cast %add3A_324 : i32 to index
          %get3A_328 = tpu.vector_load %arg8[%get3A_326, %get3A_327] {strides = array<i32>} : memref<2x1280xi32, #tpu.memory_space<vmem>>, vector<16xi32>,
          %get3A_329 = arith.constant 0 : i32
          %get3A_330 = arith.index_cast %get3A_329 : i32 to index
          %get3A_331 = arith.index_cast %add3A_324 : i32 to index
          %get3A_332 = tpu.vector_load %arg8[%get3A_330, %get3A_331] {strides = array<i32>} : memref<2x1280xi32, #tpu.memory_space<vmem>>, vector<16xi32>,
          %mul3A_333 = arith.constant -858993459 : i32
          %mul3A_334 = vector.broadcast %mul3A_333 : i32 to vector<16xi32>
          %mul3A_335 = arith.muli %get3A_328, %mul3A_334 : vector<16xi32>
          %le3A_336 = arith.constant 858993459 : i32
          %le3A_337 = vector.broadcast %le3A_336 : i32 to vector<16xi32>
          %le3A_338 = arith.cmpi ule, %mul3A_335, %le3A_337 : vector<16xi32>
          %bitcast3A_339 = vector.bitcast %mul3A_335 : vector<16xi32> to vector<16xi32>
          %add3A_340 = arith.constant 208 : i32
          %add3A_341 = arith.addi %mul3A_121, %add3A_340 : i32
          %get3A_342 = arith.constant 1 : i32
          %get3A_343 = arith.index_cast %get3A_342 : i32 to index
          %get3A_344 = arith.index_cast %add3A_341 : i32 to index
          %get3A_345 = tpu.vector_load %arg8[%get3A_343, %get3A_344] {strides = array<i32>} : memref<2x1280xi32, #tpu.memory_space<vmem>>, vector<16xi32>,
          %get3A_346 = arith.constant 0 : i32
          %get3A_347 = arith.index_cast %get3A_346 : i32 to index
          %get3A_348 = arith.index_cast %add3A_341 : i32 to index
          %get3A_349 = tpu.vector_load %arg8[%get3A_347, %get3A_348] {strides = array<i32>} : memref<2x1280xi32, #tpu.memory_space<vmem>>, vector<16xi32>,
          %mul3A_350 = arith.constant -858993459 : i32
          %mul3A_351 = vector.broadcast %mul3A_350 : i32 to vector<16xi32>
          %mul3A_352 = arith.muli %get3A_345, %mul3A_351 : vector<16xi32>
          %le3A_353 = arith.constant 858993459 : i32
          %le3A_354 = vector.broadcast %le3A_353 : i32 to vector<16xi32>
          %le3A_355 = arith.cmpi ule, %mul3A_352, %le3A_354 : vector<16xi32>
          %bitcast3A_356 = vector.bitcast %mul3A_352 : vector<16xi32> to vector<16xi32>
          %add3A_357 = arith.constant 224 : i32
          %add3A_358 = arith.addi %mul3A_121, %add3A_357 : i32
          %get3A_359 = arith.constant 1 : i32
          %get3A_360 = arith.index_cast %get3A_359 : i32 to index
          %get3A_361 = arith.index_cast %add3A_358 : i32 to index
          %get3A_362 = tpu.vector_load %arg8[%get3A_360, %get3A_361] {strides = array<i32>} : memref<2x1280xi32, #tpu.memory_space<vmem>>, vector<16xi32>,
          %get3A_363 = arith.constant 0 : i32
          %get3A_364 = arith.index_cast %get3A_363 : i32 to index
          %get3A_365 = arith.index_cast %add3A_358 : i32 to index
          %get3A_366 = tpu.vector_load %arg8[%get3A_364, %get3A_365] {strides = array<i32>} : memref<2x1280xi32, #tpu.memory_space<vmem>>, vector<16xi32>,
          %mul3A_367 = arith.constant -858993459 : i32
          %mul3A_368 = vector.broadcast %mul3A_367 : i32 to vector<16xi32>
          %mul3A_369 = arith.muli %get3A_362, %mul3A_368 : vector<16xi32>
          %le3A_370 = arith.constant 858993459 : i32
          %le3A_371 = vector.broadcast %le3A_370 : i32 to vector<16xi32>
          %le3A_372 = arith.cmpi ule, %mul3A_369, %le3A_371 : vector<16xi32>
          %bitcast3A_373 = vector.bitcast %mul3A_369 : vector<16xi32> to vector<16xi32>
          %add3A_374 = arith.constant 240 : i32
          %add3A_375 = arith.addi %mul3A_121, %add3A_374 : i32
          %get3A_376 = arith.constant 1 : i32
          %get3A_377 = arith.index_cast %get3A_376 : i32 to index
          %get3A_378 = arith.index_cast %add3A_375 : i32 to index
          %get3A_379 = tpu.vector_load %arg8[%get3A_377, %get3A_378] {strides = array<i32>} : memref<2x1280xi32, #tpu.memory_space<vmem>>, vector<16xi32>,
          %get3A_380 = arith.constant 0 : i32
          %get3A_381 = arith.index_cast %get3A_380 : i32 to index
          %get3A_382 = arith.index_cast %add3A_375 : i32 to index
          %get3A_383 = tpu.vector_load %arg8[%get3A_381, %get3A_382] {strides = array<i32>} : memref<2x1280xi32, #tpu.memory_space<vmem>>, vector<16xi32>,
          %mul3A_384 = arith.constant -858993459 : i32
          %mul3A_385 = vector.broadcast %mul3A_384 : i32 to vector<16xi32>
          %mul3A_386 = arith.muli %get3A_379, %mul3A_385 : vector<16xi32>
          %le3A_387 = arith.constant 858993459 : i32
          %le3A_388 = vector.broadcast %le3A_387 : i32 to vector<16xi32>
          %le3A_389 = arith.cmpi ule, %mul3A_386, %le3A_388 : vector<16xi32>
          %bitcast3A_390 = vector.bitcast %mul3A_386 : vector<16xi32> to vector<16xi32>
          %gather3A = tpu.vector_load_idx %arg5[%get3A_130] masked %le3A_135 : memref<100000xf32, #tpu.memory_space<vmem>>[vector<16xi32>], vector<16xf32>, vector<16xi1>
          %gather3A_391 = tpu.vector_load_idx %arg5[%get3A_145] masked %le3A_151 : memref<100000xf32, #tpu.memory_space<vmem>>[vector<16xi32>], vector<16xf32>, vector<16xi1>
          %gather3A_392 = tpu.vector_load_idx %arg5[%get3A_162] masked %le3A_168 : memref<100000xf32, #tpu.memory_space<vmem>>[vector<16xi32>], vector<16xf32>, vector<16xi1>
          %gather3A_393 = tpu.vector_load_idx %arg5[%get3A_179] masked %le3A_185 : memref<100000xf32, #tpu.memory_space<vmem>>[vector<16xi32>], vector<16xf32>, vector<16xi1>
          %gather3A_394 = tpu.vector_load_idx %arg5[%get3A_196] masked %le3A_202 : memref<100000xf32, #tpu.memory_space<vmem>>[vector<16xi32>], vector<16xf32>, vector<16xi1>
          %gather3A_395 = tpu.vector_load_idx %arg5[%get3A_213] masked %le3A_219 : memref<100000xf32, #tpu.memory_space<vmem>>[vector<16xi32>], vector<16xf32>, vector<16xi1>
          %gather3A_396 = tpu.vector_load_idx %arg5[%get3A_230] masked %le3A_236 : memref<100000xf32, #tpu.memory_space<vmem>>[vector<16xi32>], vector<16xf32>, vector<16xi1>
          %gather3A_397 = tpu.vector_load_idx %arg5[%get3A_247] masked %le3A_253 : memref<100000xf32, #tpu.memory_space<vmem>>[vector<16xi32>], vector<16xf32>, vector<16xi1>
          %gather3A_398 = tpu.vector_load_idx %arg5[%get3A_264] masked %le3A_270 : memref<100000xf32, #tpu.memory_space<vmem>>[vector<16xi32>], vector<16xf32>, vector<16xi1>
          %gather3A_399 = tpu.vector_load_idx %arg5[%get3A_281] masked %le3A_287 : memref<100000xf32, #tpu.memory_space<vmem>>[vector<16xi32>], vector<16xf32>, vector<16xi1>
          %gather3A_400 = tpu.vector_load_idx %arg5[%get3A_298] masked %le3A_304 : memref<100000xf32, #tpu.memory_space<vmem>>[vector<16xi32>], vector<16xf32>, vector<16xi1>
          %gather3A_401 = tpu.vector_load_idx %arg5[%get3A_315] masked %le3A_321 : memref<100000xf32, #tpu.memory_space<vmem>>[vector<16xi32>], vector<16xf32>, vector<16xi1>
          %gather3A_402 = tpu.vector_load_idx %arg5[%get3A_332] masked %le3A_338 : memref<100000xf32, #tpu.memory_space<vmem>>[vector<16xi32>], vector<16xf32>, vector<16xi1>
          %gather3A_403 = tpu.vector_load_idx %arg5[%get3A_349] masked %le3A_355 : memref<100000xf32, #tpu.memory_space<vmem>>[vector<16xi32>], vector<16xf32>, vector<16xi1>
          %gather3A_404 = tpu.vector_load_idx %arg5[%get3A_366] masked %le3A_372 : memref<100000xf32, #tpu.memory_space<vmem>>[vector<16xi32>], vector<16xf32>, vector<16xi1>
          %gather3A_405 = tpu.vector_load_idx %arg5[%get3A_383] masked %le3A_389 : memref<100000xf32, #tpu.memory_space<vmem>>[vector<16xi32>], vector<16xf32>, vector<16xi1>
          tpu.vector_store_idx %arg6[%bitcast3A], %gather3A masked %le3A_135 {add = true} : memref<20000xf32, #tpu.memory_space<vmem>>[vector<16xi32>], vector<16xf32>, vector<16xi1>
          tpu.vector_store_idx %arg6[%bitcast3A_152], %gather3A_391 masked %le3A_151 {add = true} : memref<20000xf32, #tpu.memory_space<vmem>>[vector<16xi32>], vector<16xf32>, vector<16xi1>
          tpu.vector_store_idx %arg6[%bitcast3A_169], %gather3A_392 masked %le3A_168 {add = true} : memref<20000xf32, #tpu.memory_space<vmem>>[vector<16xi32>], vector<16xf32>, vector<16xi1>
          tpu.vector_store_idx %arg6[%bitcast3A_186], %gather3A_393 masked %le3A_185 {add = true} : memref<20000xf32, #tpu.memory_space<vmem>>[vector<16xi32>], vector<16xf32>, vector<16xi1>
          tpu.vector_store_idx %arg6[%bitcast3A_203], %gather3A_394 masked %le3A_202 {add = true} : memref<20000xf32, #tpu.memory_space<vmem>>[vector<16xi32>], vector<16xf32>, vector<16xi1>
          tpu.vector_store_idx %arg6[%bitcast3A_220], %gather3A_395 masked %le3A_219 {add = true} : memref<20000xf32, #tpu.memory_space<vmem>>[vector<16xi32>], vector<16xf32>, vector<16xi1>
          tpu.vector_store_idx %arg6[%bitcast3A_237], %gather3A_396 masked %le3A_236 {add = true} : memref<20000xf32, #tpu.memory_space<vmem>>[vector<16xi32>], vector<16xf32>, vector<16xi1>
          tpu.vector_store_idx %arg6[%bitcast3A_254], %gather3A_397 masked %le3A_253 {add = true} : memref<20000xf32, #tpu.memory_space<vmem>>[vector<16xi32>], vector<16xf32>, vector<16xi1>
          tpu.vector_store_idx %arg6[%bitcast3A_271], %gather3A_398 masked %le3A_270 {add = true} : memref<20000xf32, #tpu.memory_space<vmem>>[vector<16xi32>], vector<16xf32>, vector<16xi1>
          tpu.vector_store_idx %arg6[%bitcast3A_288], %gather3A_399 masked %le3A_287 {add = true} : memref<20000xf32, #tpu.memory_space<vmem>>[vector<16xi32>], vector<16xf32>, vector<16xi1>
          tpu.vector_store_idx %arg6[%bitcast3A_305], %gather3A_400 masked %le3A_304 {add = true} : memref<20000xf32, #tpu.memory_space<vmem>>[vector<16xi32>], vector<16xf32>, vector<16xi1>
          tpu.vector_store_idx %arg6[%bitcast3A_322], %gather3A_401 masked %le3A_321 {add = true} : memref<20000xf32, #tpu.memory_space<vmem>>[vector<16xi32>], vector<16xf32>, vector<16xi1>
          tpu.vector_store_idx %arg6[%bitcast3A_339], %gather3A_402 masked %le3A_338 {add = true} : memref<20000xf32, #tpu.memory_space<vmem>>[vector<16xi32>], vector<16xf32>, vector<16xi1>
          tpu.vector_store_idx %arg6[%bitcast3A_356], %gather3A_403 masked %le3A_355 {add = true} : memref<20000xf32, #tpu.memory_space<vmem>>[vector<16xi32>], vector<16xf32>, vector<16xi1>
          tpu.vector_store_idx %arg6[%bitcast3A_373], %gather3A_404 masked %le3A_372 {add = true} : memref<20000xf32, #tpu.memory_space<vmem>>[vector<16xi32>], vector<16xf32>, vector<16xi1>
          tpu.vector_store_idx %arg6[%bitcast3A_390], %gather3A_405 masked %le3A_389 {add = true} : memref<20000xf32, #tpu.memory_space<vmem>>[vector<16xi32>], vector<16xf32>, vector<16xi1>
        }
        %scan3A_111 = arith.constant 5 : i32
        %add3A_112 = arith.constant 128 : i32
        %add3A_113 = arith.addi %add3A_71, %add3A_112 : i32
        %lt3A_114 = arith.constant 5000 : i32
        %lt3A_115 = arith.cmpi slt, %add3A_113, %lt3A_114 : i32
        %convert_element_type3A_116 = arith.extui %lt3A_115 : i1 to i32
        %cond3A_117 = arith.constant 0 : i32
        %cond3A_118 = arith.cmpi ne, %convert_element_type3A_116, %cond3A_117 : i32
        scf.if %cond3A_118 {
          %mul3A_119 = arith.constant 1280 : i32
          %mul3A_120 = arith.muli %add3A_113, %mul3A_119 : i32
          %dma_start3A_121 = arith.constant 0 : i32
          %dma_start3A_122 = tpu.memref_slice %arg3[%dma_start3A_121, %mul3A_120] : memref<2x6400000xi32, #tpu.memory_space<hbm>> -> memref<2x1280xi32, #tpu.memory_space<hbm>>
          %dma_start3A_123 = arith.constant 0 : i32
          %dma_start3A_124 = tpu.memref_slice %arg3[%dma_start3A_123, %mul3A_120] : memref<2x6400000xi32, #tpu.memory_space<hbm>> -> memref<2x1280xi32, #tpu.memory_space<hbm>>
          tpu.enqueue_dma source(%dma_start3A_124 : memref<2x1280xi32, #tpu.memory_space<hbm>>) target(%arg8 : memref<2x1280xi32, #tpu.memory_space<vmem>>) target_semaphore(%arg13 : memref<!tpu.dma_semaphore, #tpu.memory_space<semaphore_mem>>)
        } else {
        }
      } else {
      }
      %mul3A_77 = arith.constant 4 : i32
      %mul3A_78 = arith.muli %scan3A_55, %mul3A_77 : i32
      %add3A_79 = arith.constant 2 : i32
      %add3A_80 = arith.addi %mul3A_78, %add3A_79 : i32
      %mul3A_81 = arith.constant 32 : i32
      %mul3A_82 = arith.muli %mul3A_81, %add3A_80 : i32
      %add3A_83 = arith.addi %add3A, %mul3A_82 : i32
      %lt3A_84 = arith.constant 5000 : i32
      %lt3A_85 = arith.cmpi slt, %add3A_83, %lt3A_84 : i32
      %convert_element_type3A_86 = arith.extui %lt3A_85 : i1 to i32
      %cond3A_87 = arith.constant 0 : i32
      %cond3A_88 = arith.cmpi ne, %convert_element_type3A_86, %cond3A_87 : i32
      scf.if %cond3A_88 {
        %dma_wait3A = arith.constant 0 : i32
        %dma_wait3A_101 = arith.constant 0 : i32
        %dma_wait3A_102 = tpu.memref_slice %arg3[%dma_wait3A, %dma_wait3A_101] : memref<2x6400000xi32, #tpu.memory_space<hbm>> -> memref<2x1280xi32, #tpu.memory_space<hbm>>
        %dma_wait3A_103 = arith.constant 0 : i32
        %dma_wait3A_104 = arith.constant 0 : i32
        %dma_wait3A_105 = tpu.memref_slice %arg3[%dma_wait3A_103, %dma_wait3A_104] : memref<2x6400000xi32, #tpu.memory_space<hbm>> -> memref<2x1280xi32, #tpu.memory_space<hbm>>
        tpu.wait_dma2 semaphore(%arg14 : memref<!tpu.dma_semaphore, #tpu.memory_space<semaphore_mem>>) src(%dma_wait3A_105 : memref<2x1280xi32, #tpu.memory_space<hbm>>) dst(%arg9 : memref<2x1280xi32, #tpu.memory_space<vmem>>)
        %scan3A_106 = arith.constant 0 : i32
        %scan3A_107 = arith.constant 0 : i32
        %scan3A_108 = arith.constant 5 : i32
        %scan3A_109 = arith.addi %scan3A_107, %scan3A_108 : i32
        %scan3A_110 = arith.constant 1 : i32
        scf.for %scan3A_119 = %scan3A_107 to %scan3A_109 step %scan3A_110  : i32 {
          %mul3A_120 = arith.constant 256 : i32
          %mul3A_121 = arith.muli %scan3A_119, %mul3A_120 : i32
          %add3A_122 = arith.constant 0 : i32
          %add3A_123 = arith.addi %mul3A_121, %add3A_122 : i32
          %get3A = arith.constant 1 : i32
          %get3A_124 = arith.index_cast %get3A : i32 to index
          %get3A_125 = arith.index_cast %add3A_123 : i32 to index
          %get3A_126 = tpu.vector_load %arg9[%get3A_124, %get3A_125] {strides = array<i32>} : memref<2x1280xi32, #tpu.memory_space<vmem>>, vector<16xi32>,
          %get3A_127 = arith.constant 0 : i32
          %get3A_128 = arith.index_cast %get3A_127 : i32 to index
          %get3A_129 = arith.index_cast %add3A_123 : i32 to index
          %get3A_130 = tpu.vector_load %arg9[%get3A_128, %get3A_129] {strides = array<i32>} : memref<2x1280xi32, #tpu.memory_space<vmem>>, vector<16xi32>,
          %mul3A_131 = arith.constant -858993459 : i32
          %mul3A_132 = vector.broadcast %mul3A_131 : i32 to vector<16xi32>
          %mul3A_133 = arith.muli %get3A_126, %mul3A_132 : vector<16xi32>
          %le3A = arith.constant 858993459 : i32
          %le3A_134 = vector.broadcast %le3A : i32 to vector<16xi32>
          %le3A_135 = arith.cmpi ule, %mul3A_133, %le3A_134 : vector<16xi32>
          %bitcast3A = vector.bitcast %mul3A_133 : vector<16xi32> to vector<16xi32>
          %add3A_136 = arith.constant 16 : i32
          %add3A_137 = arith.addi %mul3A_121, %add3A_136 : i32
          %get3A_138 = arith.constant 1 : i32
          %get3A_139 = arith.index_cast %get3A_138 : i32 to index
          %get3A_140 = arith.index_cast %add3A_137 : i32 to index
          %get3A_141 = tpu.vector_load %arg9[%get3A_139, %get3A_140] {strides = array<i32>} : memref<2x1280xi32, #tpu.memory_space<vmem>>, vector<16xi32>,
          %get3A_142 = arith.constant 0 : i32
          %get3A_143 = arith.index_cast %get3A_142 : i32 to index
          %get3A_144 = arith.index_cast %add3A_137 : i32 to index
          %get3A_145 = tpu.vector_load %arg9[%get3A_143, %get3A_144] {strides = array<i32>} : memref<2x1280xi32, #tpu.memory_space<vmem>>, vector<16xi32>,
          %mul3A_146 = arith.constant -858993459 : i32
          %mul3A_147 = vector.broadcast %mul3A_146 : i32 to vector<16xi32>
          %mul3A_148 = arith.muli %get3A_141, %mul3A_147 : vector<16xi32>
          %le3A_149 = arith.constant 858993459 : i32
          %le3A_150 = vector.broadcast %le3A_149 : i32 to vector<16xi32>
          %le3A_151 = arith.cmpi ule, %mul3A_148, %le3A_150 : vector<16xi32>
          %bitcast3A_152 = vector.bitcast %mul3A_148 : vector<16xi32> to vector<16xi32>
          %add3A_153 = arith.constant 32 : i32
          %add3A_154 = arith.addi %mul3A_121, %add3A_153 : i32
          %get3A_155 = arith.constant 1 : i32
          %get3A_156 = arith.index_cast %get3A_155 : i32 to index
          %get3A_157 = arith.index_cast %add3A_154 : i32 to index
          %get3A_158 = tpu.vector_load %arg9[%get3A_156, %get3A_157] {strides = array<i32>} : memref<2x1280xi32, #tpu.memory_space<vmem>>, vector<16xi32>,
          %get3A_159 = arith.constant 0 : i32
          %get3A_160 = arith.index_cast %get3A_159 : i32 to index
          %get3A_161 = arith.index_cast %add3A_154 : i32 to index
          %get3A_162 = tpu.vector_load %arg9[%get3A_160, %get3A_161] {strides = array<i32>} : memref<2x1280xi32, #tpu.memory_space<vmem>>, vector<16xi32>,
          %mul3A_163 = arith.constant -858993459 : i32
          %mul3A_164 = vector.broadcast %mul3A_163 : i32 to vector<16xi32>
          %mul3A_165 = arith.muli %get3A_158, %mul3A_164 : vector<16xi32>
          %le3A_166 = arith.constant 858993459 : i32
          %le3A_167 = vector.broadcast %le3A_166 : i32 to vector<16xi32>
          %le3A_168 = arith.cmpi ule, %mul3A_165, %le3A_167 : vector<16xi32>
          %bitcast3A_169 = vector.bitcast %mul3A_165 : vector<16xi32> to vector<16xi32>
          %add3A_170 = arith.constant 48 : i32
          %add3A_171 = arith.addi %mul3A_121, %add3A_170 : i32
          %get3A_172 = arith.constant 1 : i32
          %get3A_173 = arith.index_cast %get3A_172 : i32 to index
          %get3A_174 = arith.index_cast %add3A_171 : i32 to index
          %get3A_175 = tpu.vector_load %arg9[%get3A_173, %get3A_174] {strides = array<i32>} : memref<2x1280xi32, #tpu.memory_space<vmem>>, vector<16xi32>,
          %get3A_176 = arith.constant 0 : i32
          %get3A_177 = arith.index_cast %get3A_176 : i32 to index
          %get3A_178 = arith.index_cast %add3A_171 : i32 to index
          %get3A_179 = tpu.vector_load %arg9[%get3A_177, %get3A_178] {strides = array<i32>} : memref<2x1280xi32, #tpu.memory_space<vmem>>, vector<16xi32>,
          %mul3A_180 = arith.constant -858993459 : i32
          %mul3A_181 = vector.broadcast %mul3A_180 : i32 to vector<16xi32>
          %mul3A_182 = arith.muli %get3A_175, %mul3A_181 : vector<16xi32>
          %le3A_183 = arith.constant 858993459 : i32
          %le3A_184 = vector.broadcast %le3A_183 : i32 to vector<16xi32>
          %le3A_185 = arith.cmpi ule, %mul3A_182, %le3A_184 : vector<16xi32>
          %bitcast3A_186 = vector.bitcast %mul3A_182 : vector<16xi32> to vector<16xi32>
          %add3A_187 = arith.constant 64 : i32
          %add3A_188 = arith.addi %mul3A_121, %add3A_187 : i32
          %get3A_189 = arith.constant 1 : i32
          %get3A_190 = arith.index_cast %get3A_189 : i32 to index
          %get3A_191 = arith.index_cast %add3A_188 : i32 to index
          %get3A_192 = tpu.vector_load %arg9[%get3A_190, %get3A_191] {strides = array<i32>} : memref<2x1280xi32, #tpu.memory_space<vmem>>, vector<16xi32>,
          %get3A_193 = arith.constant 0 : i32
          %get3A_194 = arith.index_cast %get3A_193 : i32 to index
          %get3A_195 = arith.index_cast %add3A_188 : i32 to index
          %get3A_196 = tpu.vector_load %arg9[%get3A_194, %get3A_195] {strides = array<i32>} : memref<2x1280xi32, #tpu.memory_space<vmem>>, vector<16xi32>,
          %mul3A_197 = arith.constant -858993459 : i32
          %mul3A_198 = vector.broadcast %mul3A_197 : i32 to vector<16xi32>
          %mul3A_199 = arith.muli %get3A_192, %mul3A_198 : vector<16xi32>
          %le3A_200 = arith.constant 858993459 : i32
          %le3A_201 = vector.broadcast %le3A_200 : i32 to vector<16xi32>
          %le3A_202 = arith.cmpi ule, %mul3A_199, %le3A_201 : vector<16xi32>
          %bitcast3A_203 = vector.bitcast %mul3A_199 : vector<16xi32> to vector<16xi32>
          %add3A_204 = arith.constant 80 : i32
          %add3A_205 = arith.addi %mul3A_121, %add3A_204 : i32
          %get3A_206 = arith.constant 1 : i32
          %get3A_207 = arith.index_cast %get3A_206 : i32 to index
          %get3A_208 = arith.index_cast %add3A_205 : i32 to index
          %get3A_209 = tpu.vector_load %arg9[%get3A_207, %get3A_208] {strides = array<i32>} : memref<2x1280xi32, #tpu.memory_space<vmem>>, vector<16xi32>,
          %get3A_210 = arith.constant 0 : i32
          %get3A_211 = arith.index_cast %get3A_210 : i32 to index
          %get3A_212 = arith.index_cast %add3A_205 : i32 to index
          %get3A_213 = tpu.vector_load %arg9[%get3A_211, %get3A_212] {strides = array<i32>} : memref<2x1280xi32, #tpu.memory_space<vmem>>, vector<16xi32>,
          %mul3A_214 = arith.constant -858993459 : i32
          %mul3A_215 = vector.broadcast %mul3A_214 : i32 to vector<16xi32>
          %mul3A_216 = arith.muli %get3A_209, %mul3A_215 : vector<16xi32>
          %le3A_217 = arith.constant 858993459 : i32
          %le3A_218 = vector.broadcast %le3A_217 : i32 to vector<16xi32>
          %le3A_219 = arith.cmpi ule, %mul3A_216, %le3A_218 : vector<16xi32>
          %bitcast3A_220 = vector.bitcast %mul3A_216 : vector<16xi32> to vector<16xi32>
          %add3A_221 = arith.constant 96 : i32
          %add3A_222 = arith.addi %mul3A_121, %add3A_221 : i32
          %get3A_223 = arith.constant 1 : i32
          %get3A_224 = arith.index_cast %get3A_223 : i32 to index
          %get3A_225 = arith.index_cast %add3A_222 : i32 to index
          %get3A_226 = tpu.vector_load %arg9[%get3A_224, %get3A_225] {strides = array<i32>} : memref<2x1280xi32, #tpu.memory_space<vmem>>, vector<16xi32>,
          %get3A_227 = arith.constant 0 : i32
          %get3A_228 = arith.index_cast %get3A_227 : i32 to index
          %get3A_229 = arith.index_cast %add3A_222 : i32 to index
          %get3A_230 = tpu.vector_load %arg9[%get3A_228, %get3A_229] {strides = array<i32>} : memref<2x1280xi32, #tpu.memory_space<vmem>>, vector<16xi32>,
          %mul3A_231 = arith.constant -858993459 : i32
          %mul3A_232 = vector.broadcast %mul3A_231 : i32 to vector<16xi32>
          %mul3A_233 = arith.muli %get3A_226, %mul3A_232 : vector<16xi32>
          %le3A_234 = arith.constant 858993459 : i32
          %le3A_235 = vector.broadcast %le3A_234 : i32 to vector<16xi32>
          %le3A_236 = arith.cmpi ule, %mul3A_233, %le3A_235 : vector<16xi32>
          %bitcast3A_237 = vector.bitcast %mul3A_233 : vector<16xi32> to vector<16xi32>
          %add3A_238 = arith.constant 112 : i32
          %add3A_239 = arith.addi %mul3A_121, %add3A_238 : i32
          %get3A_240 = arith.constant 1 : i32
          %get3A_241 = arith.index_cast %get3A_240 : i32 to index
          %get3A_242 = arith.index_cast %add3A_239 : i32 to index
          %get3A_243 = tpu.vector_load %arg9[%get3A_241, %get3A_242] {strides = array<i32>} : memref<2x1280xi32, #tpu.memory_space<vmem>>, vector<16xi32>,
          %get3A_244 = arith.constant 0 : i32
          %get3A_245 = arith.index_cast %get3A_244 : i32 to index
          %get3A_246 = arith.index_cast %add3A_239 : i32 to index
          %get3A_247 = tpu.vector_load %arg9[%get3A_245, %get3A_246] {strides = array<i32>} : memref<2x1280xi32, #tpu.memory_space<vmem>>, vector<16xi32>,
          %mul3A_248 = arith.constant -858993459 : i32
          %mul3A_249 = vector.broadcast %mul3A_248 : i32 to vector<16xi32>
          %mul3A_250 = arith.muli %get3A_243, %mul3A_249 : vector<16xi32>
          %le3A_251 = arith.constant 858993459 : i32
          %le3A_252 = vector.broadcast %le3A_251 : i32 to vector<16xi32>
          %le3A_253 = arith.cmpi ule, %mul3A_250, %le3A_252 : vector<16xi32>
          %bitcast3A_254 = vector.bitcast %mul3A_250 : vector<16xi32> to vector<16xi32>
          %add3A_255 = arith.constant 128 : i32
          %add3A_256 = arith.addi %mul3A_121, %add3A_255 : i32
          %get3A_257 = arith.constant 1 : i32
          %get3A_258 = arith.index_cast %get3A_257 : i32 to index
          %get3A_259 = arith.index_cast %add3A_256 : i32 to index
          %get3A_260 = tpu.vector_load %arg9[%get3A_258, %get3A_259] {strides = array<i32>} : memref<2x1280xi32, #tpu.memory_space<vmem>>, vector<16xi32>,
          %get3A_261 = arith.constant 0 : i32
          %get3A_262 = arith.index_cast %get3A_261 : i32 to index
          %get3A_263 = arith.index_cast %add3A_256 : i32 to index
          %get3A_264 = tpu.vector_load %arg9[%get3A_262, %get3A_263] {strides = array<i32>} : memref<2x1280xi32, #tpu.memory_space<vmem>>, vector<16xi32>,
          %mul3A_265 = arith.constant -858993459 : i32
          %mul3A_266 = vector.broadcast %mul3A_265 : i32 to vector<16xi32>
          %mul3A_267 = arith.muli %get3A_260, %mul3A_266 : vector<16xi32>
          %le3A_268 = arith.constant 858993459 : i32
          %le3A_269 = vector.broadcast %le3A_268 : i32 to vector<16xi32>
          %le3A_270 = arith.cmpi ule, %mul3A_267, %le3A_269 : vector<16xi32>
          %bitcast3A_271 = vector.bitcast %mul3A_267 : vector<16xi32> to vector<16xi32>
          %add3A_272 = arith.constant 144 : i32
          %add3A_273 = arith.addi %mul3A_121, %add3A_272 : i32
          %get3A_274 = arith.constant 1 : i32
          %get3A_275 = arith.index_cast %get3A_274 : i32 to index
          %get3A_276 = arith.index_cast %add3A_273 : i32 to index
          %get3A_277 = tpu.vector_load %arg9[%get3A_275, %get3A_276] {strides = array<i32>} : memref<2x1280xi32, #tpu.memory_space<vmem>>, vector<16xi32>,
          %get3A_278 = arith.constant 0 : i32
          %get3A_279 = arith.index_cast %get3A_278 : i32 to index
          %get3A_280 = arith.index_cast %add3A_273 : i32 to index
          %get3A_281 = tpu.vector_load %arg9[%get3A_279, %get3A_280] {strides = array<i32>} : memref<2x1280xi32, #tpu.memory_space<vmem>>, vector<16xi32>,
          %mul3A_282 = arith.constant -858993459 : i32
          %mul3A_283 = vector.broadcast %mul3A_282 : i32 to vector<16xi32>
          %mul3A_284 = arith.muli %get3A_277, %mul3A_283 : vector<16xi32>
          %le3A_285 = arith.constant 858993459 : i32
          %le3A_286 = vector.broadcast %le3A_285 : i32 to vector<16xi32>
          %le3A_287 = arith.cmpi ule, %mul3A_284, %le3A_286 : vector<16xi32>
          %bitcast3A_288 = vector.bitcast %mul3A_284 : vector<16xi32> to vector<16xi32>
          %add3A_289 = arith.constant 160 : i32
          %add3A_290 = arith.addi %mul3A_121, %add3A_289 : i32
          %get3A_291 = arith.constant 1 : i32
          %get3A_292 = arith.index_cast %get3A_291 : i32 to index
          %get3A_293 = arith.index_cast %add3A_290 : i32 to index
          %get3A_294 = tpu.vector_load %arg9[%get3A_292, %get3A_293] {strides = array<i32>} : memref<2x1280xi32, #tpu.memory_space<vmem>>, vector<16xi32>,
          %get3A_295 = arith.constant 0 : i32
          %get3A_296 = arith.index_cast %get3A_295 : i32 to index
          %get3A_297 = arith.index_cast %add3A_290 : i32 to index
          %get3A_298 = tpu.vector_load %arg9[%get3A_296, %get3A_297] {strides = array<i32>} : memref<2x1280xi32, #tpu.memory_space<vmem>>, vector<16xi32>,
          %mul3A_299 = arith.constant -858993459 : i32
          %mul3A_300 = vector.broadcast %mul3A_299 : i32 to vector<16xi32>
          %mul3A_301 = arith.muli %get3A_294, %mul3A_300 : vector<16xi32>
          %le3A_302 = arith.constant 858993459 : i32
          %le3A_303 = vector.broadcast %le3A_302 : i32 to vector<16xi32>
          %le3A_304 = arith.cmpi ule, %mul3A_301, %le3A_303 : vector<16xi32>
          %bitcast3A_305 = vector.bitcast %mul3A_301 : vector<16xi32> to vector<16xi32>
          %add3A_306 = arith.constant 176 : i32
          %add3A_307 = arith.addi %mul3A_121, %add3A_306 : i32
          %get3A_308 = arith.constant 1 : i32
          %get3A_309 = arith.index_cast %get3A_308 : i32 to index
          %get3A_310 = arith.index_cast %add3A_307 : i32 to index
          %get3A_311 = tpu.vector_load %arg9[%get3A_309, %get3A_310] {strides = array<i32>} : memref<2x1280xi32, #tpu.memory_space<vmem>>, vector<16xi32>,
          %get3A_312 = arith.constant 0 : i32
          %get3A_313 = arith.index_cast %get3A_312 : i32 to index
          %get3A_314 = arith.index_cast %add3A_307 : i32 to index
          %get3A_315 = tpu.vector_load %arg9[%get3A_313, %get3A_314] {strides = array<i32>} : memref<2x1280xi32, #tpu.memory_space<vmem>>, vector<16xi32>,
          %mul3A_316 = arith.constant -858993459 : i32
          %mul3A_317 = vector.broadcast %mul3A_316 : i32 to vector<16xi32>
          %mul3A_318 = arith.muli %get3A_311, %mul3A_317 : vector<16xi32>
          %le3A_319 = arith.constant 858993459 : i32
          %le3A_320 = vector.broadcast %le3A_319 : i32 to vector<16xi32>
          %le3A_321 = arith.cmpi ule, %mul3A_318, %le3A_320 : vector<16xi32>
          %bitcast3A_322 = vector.bitcast %mul3A_318 : vector<16xi32> to vector<16xi32>
          %add3A_323 = arith.constant 192 : i32
          %add3A_324 = arith.addi %mul3A_121, %add3A_323 : i32
          %get3A_325 = arith.constant 1 : i32
          %get3A_326 = arith.index_cast %get3A_325 : i32 to index
          %get3A_327 = arith.index_cast %add3A_324 : i32 to index
          %get3A_328 = tpu.vector_load %arg9[%get3A_326, %get3A_327] {strides = array<i32>} : memref<2x1280xi32, #tpu.memory_space<vmem>>, vector<16xi32>,
          %get3A_329 = arith.constant 0 : i32
          %get3A_330 = arith.index_cast %get3A_329 : i32 to index
          %get3A_331 = arith.index_cast %add3A_324 : i32 to index
          %get3A_332 = tpu.vector_load %arg9[%get3A_330, %get3A_331] {strides = array<i32>} : memref<2x1280xi32, #tpu.memory_space<vmem>>, vector<16xi32>,
          %mul3A_333 = arith.constant -858993459 : i32
          %mul3A_334 = vector.broadcast %mul3A_333 : i32 to vector<16xi32>
          %mul3A_335 = arith.muli %get3A_328, %mul3A_334 : vector<16xi32>
          %le3A_336 = arith.constant 858993459 : i32
          %le3A_337 = vector.broadcast %le3A_336 : i32 to vector<16xi32>
          %le3A_338 = arith.cmpi ule, %mul3A_335, %le3A_337 : vector<16xi32>
          %bitcast3A_339 = vector.bitcast %mul3A_335 : vector<16xi32> to vector<16xi32>
          %add3A_340 = arith.constant 208 : i32
          %add3A_341 = arith.addi %mul3A_121, %add3A_340 : i32
          %get3A_342 = arith.constant 1 : i32
          %get3A_343 = arith.index_cast %get3A_342 : i32 to index
          %get3A_344 = arith.index_cast %add3A_341 : i32 to index
          %get3A_345 = tpu.vector_load %arg9[%get3A_343, %get3A_344] {strides = array<i32>} : memref<2x1280xi32, #tpu.memory_space<vmem>>, vector<16xi32>,
          %get3A_346 = arith.constant 0 : i32
          %get3A_347 = arith.index_cast %get3A_346 : i32 to index
          %get3A_348 = arith.index_cast %add3A_341 : i32 to index
          %get3A_349 = tpu.vector_load %arg9[%get3A_347, %get3A_348] {strides = array<i32>} : memref<2x1280xi32, #tpu.memory_space<vmem>>, vector<16xi32>,
          %mul3A_350 = arith.constant -858993459 : i32
          %mul3A_351 = vector.broadcast %mul3A_350 : i32 to vector<16xi32>
          %mul3A_352 = arith.muli %get3A_345, %mul3A_351 : vector<16xi32>
          %le3A_353 = arith.constant 858993459 : i32
          %le3A_354 = vector.broadcast %le3A_353 : i32 to vector<16xi32>
          %le3A_355 = arith.cmpi ule, %mul3A_352, %le3A_354 : vector<16xi32>
          %bitcast3A_356 = vector.bitcast %mul3A_352 : vector<16xi32> to vector<16xi32>
          %add3A_357 = arith.constant 224 : i32
          %add3A_358 = arith.addi %mul3A_121, %add3A_357 : i32
          %get3A_359 = arith.constant 1 : i32
          %get3A_360 = arith.index_cast %get3A_359 : i32 to index
          %get3A_361 = arith.index_cast %add3A_358 : i32 to index
          %get3A_362 = tpu.vector_load %arg9[%get3A_360, %get3A_361] {strides = array<i32>} : memref<2x1280xi32, #tpu.memory_space<vmem>>, vector<16xi32>,
          %get3A_363 = arith.constant 0 : i32
          %get3A_364 = arith.index_cast %get3A_363 : i32 to index
          %get3A_365 = arith.index_cast %add3A_358 : i32 to index
          %get3A_366 = tpu.vector_load %arg9[%get3A_364, %get3A_365] {strides = array<i32>} : memref<2x1280xi32, #tpu.memory_space<vmem>>, vector<16xi32>,
          %mul3A_367 = arith.constant -858993459 : i32
          %mul3A_368 = vector.broadcast %mul3A_367 : i32 to vector<16xi32>
          %mul3A_369 = arith.muli %get3A_362, %mul3A_368 : vector<16xi32>
          %le3A_370 = arith.constant 858993459 : i32
          %le3A_371 = vector.broadcast %le3A_370 : i32 to vector<16xi32>
          %le3A_372 = arith.cmpi ule, %mul3A_369, %le3A_371 : vector<16xi32>
          %bitcast3A_373 = vector.bitcast %mul3A_369 : vector<16xi32> to vector<16xi32>
          %add3A_374 = arith.constant 240 : i32
          %add3A_375 = arith.addi %mul3A_121, %add3A_374 : i32
          %get3A_376 = arith.constant 1 : i32
          %get3A_377 = arith.index_cast %get3A_376 : i32 to index
          %get3A_378 = arith.index_cast %add3A_375 : i32 to index
          %get3A_379 = tpu.vector_load %arg9[%get3A_377, %get3A_378] {strides = array<i32>} : memref<2x1280xi32, #tpu.memory_space<vmem>>, vector<16xi32>,
          %get3A_380 = arith.constant 0 : i32
          %get3A_381 = arith.index_cast %get3A_380 : i32 to index
          %get3A_382 = arith.index_cast %add3A_375 : i32 to index
          %get3A_383 = tpu.vector_load %arg9[%get3A_381, %get3A_382] {strides = array<i32>} : memref<2x1280xi32, #tpu.memory_space<vmem>>, vector<16xi32>,
          %mul3A_384 = arith.constant -858993459 : i32
          %mul3A_385 = vector.broadcast %mul3A_384 : i32 to vector<16xi32>
          %mul3A_386 = arith.muli %get3A_379, %mul3A_385 : vector<16xi32>
          %le3A_387 = arith.constant 858993459 : i32
          %le3A_388 = vector.broadcast %le3A_387 : i32 to vector<16xi32>
          %le3A_389 = arith.cmpi ule, %mul3A_386, %le3A_388 : vector<16xi32>
          %bitcast3A_390 = vector.bitcast %mul3A_386 : vector<16xi32> to vector<16xi32>
          %gather3A = tpu.vector_load_idx %arg5[%get3A_130] masked %le3A_135 : memref<100000xf32, #tpu.memory_space<vmem>>[vector<16xi32>], vector<16xf32>, vector<16xi1>
          %gather3A_391 = tpu.vector_load_idx %arg5[%get3A_145] masked %le3A_151 : memref<100000xf32, #tpu.memory_space<vmem>>[vector<16xi32>], vector<16xf32>, vector<16xi1>
          %gather3A_392 = tpu.vector_load_idx %arg5[%get3A_162] masked %le3A_168 : memref<100000xf32, #tpu.memory_space<vmem>>[vector<16xi32>], vector<16xf32>, vector<16xi1>
          %gather3A_393 = tpu.vector_load_idx %arg5[%get3A_179] masked %le3A_185 : memref<100000xf32, #tpu.memory_space<vmem>>[vector<16xi32>], vector<16xf32>, vector<16xi1>
          %gather3A_394 = tpu.vector_load_idx %arg5[%get3A_196] masked %le3A_202 : memref<100000xf32, #tpu.memory_space<vmem>>[vector<16xi32>], vector<16xf32>, vector<16xi1>
          %gather3A_395 = tpu.vector_load_idx %arg5[%get3A_213] masked %le3A_219 : memref<100000xf32, #tpu.memory_space<vmem>>[vector<16xi32>], vector<16xf32>, vector<16xi1>
          %gather3A_396 = tpu.vector_load_idx %arg5[%get3A_230] masked %le3A_236 : memref<100000xf32, #tpu.memory_space<vmem>>[vector<16xi32>], vector<16xf32>, vector<16xi1>
          %gather3A_397 = tpu.vector_load_idx %arg5[%get3A_247] masked %le3A_253 : memref<100000xf32, #tpu.memory_space<vmem>>[vector<16xi32>], vector<16xf32>, vector<16xi1>
          %gather3A_398 = tpu.vector_load_idx %arg5[%get3A_264] masked %le3A_270 : memref<100000xf32, #tpu.memory_space<vmem>>[vector<16xi32>], vector<16xf32>, vector<16xi1>
          %gather3A_399 = tpu.vector_load_idx %arg5[%get3A_281] masked %le3A_287 : memref<100000xf32, #tpu.memory_space<vmem>>[vector<16xi32>], vector<16xf32>, vector<16xi1>
          %gather3A_400 = tpu.vector_load_idx %arg5[%get3A_298] masked %le3A_304 : memref<100000xf32, #tpu.memory_space<vmem>>[vector<16xi32>], vector<16xf32>, vector<16xi1>
          %gather3A_401 = tpu.vector_load_idx %arg5[%get3A_315] masked %le3A_321 : memref<100000xf32, #tpu.memory_space<vmem>>[vector<16xi32>], vector<16xf32>, vector<16xi1>
          %gather3A_402 = tpu.vector_load_idx %arg5[%get3A_332] masked %le3A_338 : memref<100000xf32, #tpu.memory_space<vmem>>[vector<16xi32>], vector<16xf32>, vector<16xi1>
          %gather3A_403 = tpu.vector_load_idx %arg5[%get3A_349] masked %le3A_355 : memref<100000xf32, #tpu.memory_space<vmem>>[vector<16xi32>], vector<16xf32>, vector<16xi1>
          %gather3A_404 = tpu.vector_load_idx %arg5[%get3A_366] masked %le3A_372 : memref<100000xf32, #tpu.memory_space<vmem>>[vector<16xi32>], vector<16xf32>, vector<16xi1>
          %gather3A_405 = tpu.vector_load_idx %arg5[%get3A_383] masked %le3A_389 : memref<100000xf32, #tpu.memory_space<vmem>>[vector<16xi32>], vector<16xf32>, vector<16xi1>
          tpu.vector_store_idx %arg6[%bitcast3A], %gather3A masked %le3A_135 {add = true} : memref<20000xf32, #tpu.memory_space<vmem>>[vector<16xi32>], vector<16xf32>, vector<16xi1>
          tpu.vector_store_idx %arg6[%bitcast3A_152], %gather3A_391 masked %le3A_151 {add = true} : memref<20000xf32, #tpu.memory_space<vmem>>[vector<16xi32>], vector<16xf32>, vector<16xi1>
          tpu.vector_store_idx %arg6[%bitcast3A_169], %gather3A_392 masked %le3A_168 {add = true} : memref<20000xf32, #tpu.memory_space<vmem>>[vector<16xi32>], vector<16xf32>, vector<16xi1>
          tpu.vector_store_idx %arg6[%bitcast3A_186], %gather3A_393 masked %le3A_185 {add = true} : memref<20000xf32, #tpu.memory_space<vmem>>[vector<16xi32>], vector<16xf32>, vector<16xi1>
          tpu.vector_store_idx %arg6[%bitcast3A_203], %gather3A_394 masked %le3A_202 {add = true} : memref<20000xf32, #tpu.memory_space<vmem>>[vector<16xi32>], vector<16xf32>, vector<16xi1>
          tpu.vector_store_idx %arg6[%bitcast3A_220], %gather3A_395 masked %le3A_219 {add = true} : memref<20000xf32, #tpu.memory_space<vmem>>[vector<16xi32>], vector<16xf32>, vector<16xi1>
          tpu.vector_store_idx %arg6[%bitcast3A_237], %gather3A_396 masked %le3A_236 {add = true} : memref<20000xf32, #tpu.memory_space<vmem>>[vector<16xi32>], vector<16xf32>, vector<16xi1>
          tpu.vector_store_idx %arg6[%bitcast3A_254], %gather3A_397 masked %le3A_253 {add = true} : memref<20000xf32, #tpu.memory_space<vmem>>[vector<16xi32>], vector<16xf32>, vector<16xi1>
          tpu.vector_store_idx %arg6[%bitcast3A_271], %gather3A_398 masked %le3A_270 {add = true} : memref<20000xf32, #tpu.memory_space<vmem>>[vector<16xi32>], vector<16xf32>, vector<16xi1>
          tpu.vector_store_idx %arg6[%bitcast3A_288], %gather3A_399 masked %le3A_287 {add = true} : memref<20000xf32, #tpu.memory_space<vmem>>[vector<16xi32>], vector<16xf32>, vector<16xi1>
          tpu.vector_store_idx %arg6[%bitcast3A_305], %gather3A_400 masked %le3A_304 {add = true} : memref<20000xf32, #tpu.memory_space<vmem>>[vector<16xi32>], vector<16xf32>, vector<16xi1>
          tpu.vector_store_idx %arg6[%bitcast3A_322], %gather3A_401 masked %le3A_321 {add = true} : memref<20000xf32, #tpu.memory_space<vmem>>[vector<16xi32>], vector<16xf32>, vector<16xi1>
          tpu.vector_store_idx %arg6[%bitcast3A_339], %gather3A_402 masked %le3A_338 {add = true} : memref<20000xf32, #tpu.memory_space<vmem>>[vector<16xi32>], vector<16xf32>, vector<16xi1>
          tpu.vector_store_idx %arg6[%bitcast3A_356], %gather3A_403 masked %le3A_355 {add = true} : memref<20000xf32, #tpu.memory_space<vmem>>[vector<16xi32>], vector<16xf32>, vector<16xi1>
          tpu.vector_store_idx %arg6[%bitcast3A_373], %gather3A_404 masked %le3A_372 {add = true} : memref<20000xf32, #tpu.memory_space<vmem>>[vector<16xi32>], vector<16xf32>, vector<16xi1>
          tpu.vector_store_idx %arg6[%bitcast3A_390], %gather3A_405 masked %le3A_389 {add = true} : memref<20000xf32, #tpu.memory_space<vmem>>[vector<16xi32>], vector<16xf32>, vector<16xi1>
        }
        %scan3A_111 = arith.constant 5 : i32
        %add3A_112 = arith.constant 128 : i32
        %add3A_113 = arith.addi %add3A_83, %add3A_112 : i32
        %lt3A_114 = arith.constant 5000 : i32
        %lt3A_115 = arith.cmpi slt, %add3A_113, %lt3A_114 : i32
        %convert_element_type3A_116 = arith.extui %lt3A_115 : i1 to i32
        %cond3A_117 = arith.constant 0 : i32
        %cond3A_118 = arith.cmpi ne, %convert_element_type3A_116, %cond3A_117 : i32
        scf.if %cond3A_118 {
          %mul3A_119 = arith.constant 1280 : i32
          %mul3A_120 = arith.muli %add3A_113, %mul3A_119 : i32
          %dma_start3A_121 = arith.constant 0 : i32
          %dma_start3A_122 = tpu.memref_slice %arg3[%dma_start3A_121, %mul3A_120] : memref<2x6400000xi32, #tpu.memory_space<hbm>> -> memref<2x1280xi32, #tpu.memory_space<hbm>>
          %dma_start3A_123 = arith.constant 0 : i32
          %dma_start3A_124 = tpu.memref_slice %arg3[%dma_start3A_123, %mul3A_120] : memref<2x6400000xi32, #tpu.memory_space<hbm>> -> memref<2x1280xi32, #tpu.memory_space<hbm>>
          tpu.enqueue_dma source(%dma_start3A_124 : memref<2x1280xi32, #tpu.memory_space<hbm>>) target(%arg9 : memref<2x1280xi32, #tpu.memory_space<vmem>>) target_semaphore(%arg14 : memref<!tpu.dma_semaphore, #tpu.memory_space<semaphore_mem>>)
        } else {
        }
      } else {
      }
      %mul3A_89 = arith.constant 4 : i32
      %mul3A_90 = arith.muli %scan3A_55, %mul3A_89 : i32
      %add3A_91 = arith.constant 3 : i32
      %add3A_92 = arith.addi %mul3A_90, %add3A_91 : i32
      %mul3A_93 = arith.constant 32 : i32
      %mul3A_94 = arith.muli %mul3A_93, %add3A_92 : i32
      %add3A_95 = arith.addi %add3A, %mul3A_94 : i32
      %lt3A_96 = arith.constant 5000 : i32
      %lt3A_97 = arith.cmpi slt, %add3A_95, %lt3A_96 : i32
      %convert_element_type3A_98 = arith.extui %lt3A_97 : i1 to i32
      %cond3A_99 = arith.constant 0 : i32
      %cond3A_100 = arith.cmpi ne, %convert_element_type3A_98, %cond3A_99 : i32
      scf.if %cond3A_100 {
        %dma_wait3A = arith.constant 0 : i32
        %dma_wait3A_101 = arith.constant 0 : i32
        %dma_wait3A_102 = tpu.memref_slice %arg3[%dma_wait3A, %dma_wait3A_101] : memref<2x6400000xi32, #tpu.memory_space<hbm>> -> memref<2x1280xi32, #tpu.memory_space<hbm>>
        %dma_wait3A_103 = arith.constant 0 : i32
        %dma_wait3A_104 = arith.constant 0 : i32
        %dma_wait3A_105 = tpu.memref_slice %arg3[%dma_wait3A_103, %dma_wait3A_104] : memref<2x6400000xi32, #tpu.memory_space<hbm>> -> memref<2x1280xi32, #tpu.memory_space<hbm>>
        tpu.wait_dma2 semaphore(%arg15 : memref<!tpu.dma_semaphore, #tpu.memory_space<semaphore_mem>>) src(%dma_wait3A_105 : memref<2x1280xi32, #tpu.memory_space<hbm>>) dst(%arg10 : memref<2x1280xi32, #tpu.memory_space<vmem>>)
        %scan3A_106 = arith.constant 0 : i32
        %scan3A_107 = arith.constant 0 : i32
        %scan3A_108 = arith.constant 5 : i32
        %scan3A_109 = arith.addi %scan3A_107, %scan3A_108 : i32
        %scan3A_110 = arith.constant 1 : i32
        scf.for %scan3A_119 = %scan3A_107 to %scan3A_109 step %scan3A_110  : i32 {
          %mul3A_120 = arith.constant 256 : i32
          %mul3A_121 = arith.muli %scan3A_119, %mul3A_120 : i32
          %add3A_122 = arith.constant 0 : i32
          %add3A_123 = arith.addi %mul3A_121, %add3A_122 : i32
          %get3A = arith.constant 1 : i32
          %get3A_124 = arith.index_cast %get3A : i32 to index
          %get3A_125 = arith.index_cast %add3A_123 : i32 to index
          %get3A_126 = tpu.vector_load %arg10[%get3A_124, %get3A_125] {strides = array<i32>} : memref<2x1280xi32, #tpu.memory_space<vmem>>, vector<16xi32>,
          %get3A_127 = arith.constant 0 : i32
          %get3A_128 = arith.index_cast %get3A_127 : i32 to index
          %get3A_129 = arith.index_cast %add3A_123 : i32 to index
          %get3A_130 = tpu.vector_load %arg10[%get3A_128, %get3A_129] {strides = array<i32>} : memref<2x1280xi32, #tpu.memory_space<vmem>>, vector<16xi32>,
          %mul3A_131 = arith.constant -858993459 : i32
          %mul3A_132 = vector.broadcast %mul3A_131 : i32 to vector<16xi32>
          %mul3A_133 = arith.muli %get3A_126, %mul3A_132 : vector<16xi32>
          %le3A = arith.constant 858993459 : i32
          %le3A_134 = vector.broadcast %le3A : i32 to vector<16xi32>
          %le3A_135 = arith.cmpi ule, %mul3A_133, %le3A_134 : vector<16xi32>
          %bitcast3A = vector.bitcast %mul3A_133 : vector<16xi32> to vector<16xi32>
          %add3A_136 = arith.constant 16 : i32
          %add3A_137 = arith.addi %mul3A_121, %add3A_136 : i32
          %get3A_138 = arith.constant 1 : i32
          %get3A_139 = arith.index_cast %get3A_138 : i32 to index
          %get3A_140 = arith.index_cast %add3A_137 : i32 to index
          %get3A_141 = tpu.vector_load %arg10[%get3A_139, %get3A_140] {strides = array<i32>} : memref<2x1280xi32, #tpu.memory_space<vmem>>, vector<16xi32>,
          %get3A_142 = arith.constant 0 : i32
          %get3A_143 = arith.index_cast %get3A_142 : i32 to index
          %get3A_144 = arith.index_cast %add3A_137 : i32 to index
          %get3A_145 = tpu.vector_load %arg10[%get3A_143, %get3A_144] {strides = array<i32>} : memref<2x1280xi32, #tpu.memory_space<vmem>>, vector<16xi32>,
          %mul3A_146 = arith.constant -858993459 : i32
          %mul3A_147 = vector.broadcast %mul3A_146 : i32 to vector<16xi32>
          %mul3A_148 = arith.muli %get3A_141, %mul3A_147 : vector<16xi32>
          %le3A_149 = arith.constant 858993459 : i32
          %le3A_150 = vector.broadcast %le3A_149 : i32 to vector<16xi32>
          %le3A_151 = arith.cmpi ule, %mul3A_148, %le3A_150 : vector<16xi32>
          %bitcast3A_152 = vector.bitcast %mul3A_148 : vector<16xi32> to vector<16xi32>
          %add3A_153 = arith.constant 32 : i32
          %add3A_154 = arith.addi %mul3A_121, %add3A_153 : i32
          %get3A_155 = arith.constant 1 : i32
          %get3A_156 = arith.index_cast %get3A_155 : i32 to index
          %get3A_157 = arith.index_cast %add3A_154 : i32 to index
          %get3A_158 = tpu.vector_load %arg10[%get3A_156, %get3A_157] {strides = array<i32>} : memref<2x1280xi32, #tpu.memory_space<vmem>>, vector<16xi32>,
          %get3A_159 = arith.constant 0 : i32
          %get3A_160 = arith.index_cast %get3A_159 : i32 to index
          %get3A_161 = arith.index_cast %add3A_154 : i32 to index
          %get3A_162 = tpu.vector_load %arg10[%get3A_160, %get3A_161] {strides = array<i32>} : memref<2x1280xi32, #tpu.memory_space<vmem>>, vector<16xi32>,
          %mul3A_163 = arith.constant -858993459 : i32
          %mul3A_164 = vector.broadcast %mul3A_163 : i32 to vector<16xi32>
          %mul3A_165 = arith.muli %get3A_158, %mul3A_164 : vector<16xi32>
          %le3A_166 = arith.constant 858993459 : i32
          %le3A_167 = vector.broadcast %le3A_166 : i32 to vector<16xi32>
          %le3A_168 = arith.cmpi ule, %mul3A_165, %le3A_167 : vector<16xi32>
          %bitcast3A_169 = vector.bitcast %mul3A_165 : vector<16xi32> to vector<16xi32>
          %add3A_170 = arith.constant 48 : i32
          %add3A_171 = arith.addi %mul3A_121, %add3A_170 : i32
          %get3A_172 = arith.constant 1 : i32
          %get3A_173 = arith.index_cast %get3A_172 : i32 to index
          %get3A_174 = arith.index_cast %add3A_171 : i32 to index
          %get3A_175 = tpu.vector_load %arg10[%get3A_173, %get3A_174] {strides = array<i32>} : memref<2x1280xi32, #tpu.memory_space<vmem>>, vector<16xi32>,
          %get3A_176 = arith.constant 0 : i32
          %get3A_177 = arith.index_cast %get3A_176 : i32 to index
          %get3A_178 = arith.index_cast %add3A_171 : i32 to index
          %get3A_179 = tpu.vector_load %arg10[%get3A_177, %get3A_178] {strides = array<i32>} : memref<2x1280xi32, #tpu.memory_space<vmem>>, vector<16xi32>,
          %mul3A_180 = arith.constant -858993459 : i32
          %mul3A_181 = vector.broadcast %mul3A_180 : i32 to vector<16xi32>
          %mul3A_182 = arith.muli %get3A_175, %mul3A_181 : vector<16xi32>
          %le3A_183 = arith.constant 858993459 : i32
          %le3A_184 = vector.broadcast %le3A_183 : i32 to vector<16xi32>
          %le3A_185 = arith.cmpi ule, %mul3A_182, %le3A_184 : vector<16xi32>
          %bitcast3A_186 = vector.bitcast %mul3A_182 : vector<16xi32> to vector<16xi32>
          %add3A_187 = arith.constant 64 : i32
          %add3A_188 = arith.addi %mul3A_121, %add3A_187 : i32
          %get3A_189 = arith.constant 1 : i32
          %get3A_190 = arith.index_cast %get3A_189 : i32 to index
          %get3A_191 = arith.index_cast %add3A_188 : i32 to index
          %get3A_192 = tpu.vector_load %arg10[%get3A_190, %get3A_191] {strides = array<i32>} : memref<2x1280xi32, #tpu.memory_space<vmem>>, vector<16xi32>,
          %get3A_193 = arith.constant 0 : i32
          %get3A_194 = arith.index_cast %get3A_193 : i32 to index
          %get3A_195 = arith.index_cast %add3A_188 : i32 to index
          %get3A_196 = tpu.vector_load %arg10[%get3A_194, %get3A_195] {strides = array<i32>} : memref<2x1280xi32, #tpu.memory_space<vmem>>, vector<16xi32>,
          %mul3A_197 = arith.constant -858993459 : i32
          %mul3A_198 = vector.broadcast %mul3A_197 : i32 to vector<16xi32>
          %mul3A_199 = arith.muli %get3A_192, %mul3A_198 : vector<16xi32>
          %le3A_200 = arith.constant 858993459 : i32
          %le3A_201 = vector.broadcast %le3A_200 : i32 to vector<16xi32>
          %le3A_202 = arith.cmpi ule, %mul3A_199, %le3A_201 : vector<16xi32>
          %bitcast3A_203 = vector.bitcast %mul3A_199 : vector<16xi32> to vector<16xi32>
          %add3A_204 = arith.constant 80 : i32
          %add3A_205 = arith.addi %mul3A_121, %add3A_204 : i32
          %get3A_206 = arith.constant 1 : i32
          %get3A_207 = arith.index_cast %get3A_206 : i32 to index
          %get3A_208 = arith.index_cast %add3A_205 : i32 to index
          %get3A_209 = tpu.vector_load %arg10[%get3A_207, %get3A_208] {strides = array<i32>} : memref<2x1280xi32, #tpu.memory_space<vmem>>, vector<16xi32>,
          %get3A_210 = arith.constant 0 : i32
          %get3A_211 = arith.index_cast %get3A_210 : i32 to index
          %get3A_212 = arith.index_cast %add3A_205 : i32 to index
          %get3A_213 = tpu.vector_load %arg10[%get3A_211, %get3A_212] {strides = array<i32>} : memref<2x1280xi32, #tpu.memory_space<vmem>>, vector<16xi32>,
          %mul3A_214 = arith.constant -858993459 : i32
          %mul3A_215 = vector.broadcast %mul3A_214 : i32 to vector<16xi32>
          %mul3A_216 = arith.muli %get3A_209, %mul3A_215 : vector<16xi32>
          %le3A_217 = arith.constant 858993459 : i32
          %le3A_218 = vector.broadcast %le3A_217 : i32 to vector<16xi32>
          %le3A_219 = arith.cmpi ule, %mul3A_216, %le3A_218 : vector<16xi32>
          %bitcast3A_220 = vector.bitcast %mul3A_216 : vector<16xi32> to vector<16xi32>
          %add3A_221 = arith.constant 96 : i32
          %add3A_222 = arith.addi %mul3A_121, %add3A_221 : i32
          %get3A_223 = arith.constant 1 : i32
          %get3A_224 = arith.index_cast %get3A_223 : i32 to index
          %get3A_225 = arith.index_cast %add3A_222 : i32 to index
          %get3A_226 = tpu.vector_load %arg10[%get3A_224, %get3A_225] {strides = array<i32>} : memref<2x1280xi32, #tpu.memory_space<vmem>>, vector<16xi32>,
          %get3A_227 = arith.constant 0 : i32
          %get3A_228 = arith.index_cast %get3A_227 : i32 to index
          %get3A_229 = arith.index_cast %add3A_222 : i32 to index
          %get3A_230 = tpu.vector_load %arg10[%get3A_228, %get3A_229] {strides = array<i32>} : memref<2x1280xi32, #tpu.memory_space<vmem>>, vector<16xi32>,
          %mul3A_231 = arith.constant -858993459 : i32
          %mul3A_232 = vector.broadcast %mul3A_231 : i32 to vector<16xi32>
          %mul3A_233 = arith.muli %get3A_226, %mul3A_232 : vector<16xi32>
          %le3A_234 = arith.constant 858993459 : i32
          %le3A_235 = vector.broadcast %le3A_234 : i32 to vector<16xi32>
          %le3A_236 = arith.cmpi ule, %mul3A_233, %le3A_235 : vector<16xi32>
          %bitcast3A_237 = vector.bitcast %mul3A_233 : vector<16xi32> to vector<16xi32>
          %add3A_238 = arith.constant 112 : i32
          %add3A_239 = arith.addi %mul3A_121, %add3A_238 : i32
          %get3A_240 = arith.constant 1 : i32
          %get3A_241 = arith.index_cast %get3A_240 : i32 to index
          %get3A_242 = arith.index_cast %add3A_239 : i32 to index
          %get3A_243 = tpu.vector_load %arg10[%get3A_241, %get3A_242] {strides = array<i32>} : memref<2x1280xi32, #tpu.memory_space<vmem>>, vector<16xi32>,
          %get3A_244 = arith.constant 0 : i32
          %get3A_245 = arith.index_cast %get3A_244 : i32 to index
          %get3A_246 = arith.index_cast %add3A_239 : i32 to index
          %get3A_247 = tpu.vector_load %arg10[%get3A_245, %get3A_246] {strides = array<i32>} : memref<2x1280xi32, #tpu.memory_space<vmem>>, vector<16xi32>,
          %mul3A_248 = arith.constant -858993459 : i32
          %mul3A_249 = vector.broadcast %mul3A_248 : i32 to vector<16xi32>
          %mul3A_250 = arith.muli %get3A_243, %mul3A_249 : vector<16xi32>
          %le3A_251 = arith.constant 858993459 : i32
          %le3A_252 = vector.broadcast %le3A_251 : i32 to vector<16xi32>
          %le3A_253 = arith.cmpi ule, %mul3A_250, %le3A_252 : vector<16xi32>
          %bitcast3A_254 = vector.bitcast %mul3A_250 : vector<16xi32> to vector<16xi32>
          %add3A_255 = arith.constant 128 : i32
          %add3A_256 = arith.addi %mul3A_121, %add3A_255 : i32
          %get3A_257 = arith.constant 1 : i32
          %get3A_258 = arith.index_cast %get3A_257 : i32 to index
          %get3A_259 = arith.index_cast %add3A_256 : i32 to index
          %get3A_260 = tpu.vector_load %arg10[%get3A_258, %get3A_259] {strides = array<i32>} : memref<2x1280xi32, #tpu.memory_space<vmem>>, vector<16xi32>,
          %get3A_261 = arith.constant 0 : i32
          %get3A_262 = arith.index_cast %get3A_261 : i32 to index
          %get3A_263 = arith.index_cast %add3A_256 : i32 to index
          %get3A_264 = tpu.vector_load %arg10[%get3A_262, %get3A_263] {strides = array<i32>} : memref<2x1280xi32, #tpu.memory_space<vmem>>, vector<16xi32>,
          %mul3A_265 = arith.constant -858993459 : i32
          %mul3A_266 = vector.broadcast %mul3A_265 : i32 to vector<16xi32>
          %mul3A_267 = arith.muli %get3A_260, %mul3A_266 : vector<16xi32>
          %le3A_268 = arith.constant 858993459 : i32
          %le3A_269 = vector.broadcast %le3A_268 : i32 to vector<16xi32>
          %le3A_270 = arith.cmpi ule, %mul3A_267, %le3A_269 : vector<16xi32>
          %bitcast3A_271 = vector.bitcast %mul3A_267 : vector<16xi32> to vector<16xi32>
          %add3A_272 = arith.constant 144 : i32
          %add3A_273 = arith.addi %mul3A_121, %add3A_272 : i32
          %get3A_274 = arith.constant 1 : i32
          %get3A_275 = arith.index_cast %get3A_274 : i32 to index
          %get3A_276 = arith.index_cast %add3A_273 : i32 to index
          %get3A_277 = tpu.vector_load %arg10[%get3A_275, %get3A_276] {strides = array<i32>} : memref<2x1280xi32, #tpu.memory_space<vmem>>, vector<16xi32>,
          %get3A_278 = arith.constant 0 : i32
          %get3A_279 = arith.index_cast %get3A_278 : i32 to index
          %get3A_280 = arith.index_cast %add3A_273 : i32 to index
          %get3A_281 = tpu.vector_load %arg10[%get3A_279, %get3A_280] {strides = array<i32>} : memref<2x1280xi32, #tpu.memory_space<vmem>>, vector<16xi32>,
          %mul3A_282 = arith.constant -858993459 : i32
          %mul3A_283 = vector.broadcast %mul3A_282 : i32 to vector<16xi32>
          %mul3A_284 = arith.muli %get3A_277, %mul3A_283 : vector<16xi32>
          %le3A_285 = arith.constant 858993459 : i32
          %le3A_286 = vector.broadcast %le3A_285 : i32 to vector<16xi32>
          %le3A_287 = arith.cmpi ule, %mul3A_284, %le3A_286 : vector<16xi32>
          %bitcast3A_288 = vector.bitcast %mul3A_284 : vector<16xi32> to vector<16xi32>
          %add3A_289 = arith.constant 160 : i32
          %add3A_290 = arith.addi %mul3A_121, %add3A_289 : i32
          %get3A_291 = arith.constant 1 : i32
          %get3A_292 = arith.index_cast %get3A_291 : i32 to index
          %get3A_293 = arith.index_cast %add3A_290 : i32 to index
          %get3A_294 = tpu.vector_load %arg10[%get3A_292, %get3A_293] {strides = array<i32>} : memref<2x1280xi32, #tpu.memory_space<vmem>>, vector<16xi32>,
          %get3A_295 = arith.constant 0 : i32
          %get3A_296 = arith.index_cast %get3A_295 : i32 to index
          %get3A_297 = arith.index_cast %add3A_290 : i32 to index
          %get3A_298 = tpu.vector_load %arg10[%get3A_296, %get3A_297] {strides = array<i32>} : memref<2x1280xi32, #tpu.memory_space<vmem>>, vector<16xi32>,
          %mul3A_299 = arith.constant -858993459 : i32
          %mul3A_300 = vector.broadcast %mul3A_299 : i32 to vector<16xi32>
          %mul3A_301 = arith.muli %get3A_294, %mul3A_300 : vector<16xi32>
          %le3A_302 = arith.constant 858993459 : i32
          %le3A_303 = vector.broadcast %le3A_302 : i32 to vector<16xi32>
          %le3A_304 = arith.cmpi ule, %mul3A_301, %le3A_303 : vector<16xi32>
          %bitcast3A_305 = vector.bitcast %mul3A_301 : vector<16xi32> to vector<16xi32>
          %add3A_306 = arith.constant 176 : i32
          %add3A_307 = arith.addi %mul3A_121, %add3A_306 : i32
          %get3A_308 = arith.constant 1 : i32
          %get3A_309 = arith.index_cast %get3A_308 : i32 to index
          %get3A_310 = arith.index_cast %add3A_307 : i32 to index
          %get3A_311 = tpu.vector_load %arg10[%get3A_309, %get3A_310] {strides = array<i32>} : memref<2x1280xi32, #tpu.memory_space<vmem>>, vector<16xi32>,
          %get3A_312 = arith.constant 0 : i32
          %get3A_313 = arith.index_cast %get3A_312 : i32 to index
          %get3A_314 = arith.index_cast %add3A_307 : i32 to index
          %get3A_315 = tpu.vector_load %arg10[%get3A_313, %get3A_314] {strides = array<i32>} : memref<2x1280xi32, #tpu.memory_space<vmem>>, vector<16xi32>,
          %mul3A_316 = arith.constant -858993459 : i32
          %mul3A_317 = vector.broadcast %mul3A_316 : i32 to vector<16xi32>
          %mul3A_318 = arith.muli %get3A_311, %mul3A_317 : vector<16xi32>
          %le3A_319 = arith.constant 858993459 : i32
          %le3A_320 = vector.broadcast %le3A_319 : i32 to vector<16xi32>
          %le3A_321 = arith.cmpi ule, %mul3A_318, %le3A_320 : vector<16xi32>
          %bitcast3A_322 = vector.bitcast %mul3A_318 : vector<16xi32> to vector<16xi32>
          %add3A_323 = arith.constant 192 : i32
          %add3A_324 = arith.addi %mul3A_121, %add3A_323 : i32
          %get3A_325 = arith.constant 1 : i32
          %get3A_326 = arith.index_cast %get3A_325 : i32 to index
          %get3A_327 = arith.index_cast %add3A_324 : i32 to index
          %get3A_328 = tpu.vector_load %arg10[%get3A_326, %get3A_327] {strides = array<i32>} : memref<2x1280xi32, #tpu.memory_space<vmem>>, vector<16xi32>,
          %get3A_329 = arith.constant 0 : i32
          %get3A_330 = arith.index_cast %get3A_329 : i32 to index
          %get3A_331 = arith.index_cast %add3A_324 : i32 to index
          %get3A_332 = tpu.vector_load %arg10[%get3A_330, %get3A_331] {strides = array<i32>} : memref<2x1280xi32, #tpu.memory_space<vmem>>, vector<16xi32>,
          %mul3A_333 = arith.constant -858993459 : i32
          %mul3A_334 = vector.broadcast %mul3A_333 : i32 to vector<16xi32>
          %mul3A_335 = arith.muli %get3A_328, %mul3A_334 : vector<16xi32>
          %le3A_336 = arith.constant 858993459 : i32
          %le3A_337 = vector.broadcast %le3A_336 : i32 to vector<16xi32>
          %le3A_338 = arith.cmpi ule, %mul3A_335, %le3A_337 : vector<16xi32>
          %bitcast3A_339 = vector.bitcast %mul3A_335 : vector<16xi32> to vector<16xi32>
          %add3A_340 = arith.constant 208 : i32
          %add3A_341 = arith.addi %mul3A_121, %add3A_340 : i32
          %get3A_342 = arith.constant 1 : i32
          %get3A_343 = arith.index_cast %get3A_342 : i32 to index
          %get3A_344 = arith.index_cast %add3A_341 : i32 to index
          %get3A_345 = tpu.vector_load %arg10[%get3A_343, %get3A_344] {strides = array<i32>} : memref<2x1280xi32, #tpu.memory_space<vmem>>, vector<16xi32>,
          %get3A_346 = arith.constant 0 : i32
          %get3A_347 = arith.index_cast %get3A_346 : i32 to index
          %get3A_348 = arith.index_cast %add3A_341 : i32 to index
          %get3A_349 = tpu.vector_load %arg10[%get3A_347, %get3A_348] {strides = array<i32>} : memref<2x1280xi32, #tpu.memory_space<vmem>>, vector<16xi32>,
          %mul3A_350 = arith.constant -858993459 : i32
          %mul3A_351 = vector.broadcast %mul3A_350 : i32 to vector<16xi32>
          %mul3A_352 = arith.muli %get3A_345, %mul3A_351 : vector<16xi32>
          %le3A_353 = arith.constant 858993459 : i32
          %le3A_354 = vector.broadcast %le3A_353 : i32 to vector<16xi32>
          %le3A_355 = arith.cmpi ule, %mul3A_352, %le3A_354 : vector<16xi32>
          %bitcast3A_356 = vector.bitcast %mul3A_352 : vector<16xi32> to vector<16xi32>
          %add3A_357 = arith.constant 224 : i32
          %add3A_358 = arith.addi %mul3A_121, %add3A_357 : i32
          %get3A_359 = arith.constant 1 : i32
          %get3A_360 = arith.index_cast %get3A_359 : i32 to index
          %get3A_361 = arith.index_cast %add3A_358 : i32 to index
          %get3A_362 = tpu.vector_load %arg10[%get3A_360, %get3A_361] {strides = array<i32>} : memref<2x1280xi32, #tpu.memory_space<vmem>>, vector<16xi32>,
          %get3A_363 = arith.constant 0 : i32
          %get3A_364 = arith.index_cast %get3A_363 : i32 to index
          %get3A_365 = arith.index_cast %add3A_358 : i32 to index
          %get3A_366 = tpu.vector_load %arg10[%get3A_364, %get3A_365] {strides = array<i32>} : memref<2x1280xi32, #tpu.memory_space<vmem>>, vector<16xi32>,
          %mul3A_367 = arith.constant -858993459 : i32
          %mul3A_368 = vector.broadcast %mul3A_367 : i32 to vector<16xi32>
          %mul3A_369 = arith.muli %get3A_362, %mul3A_368 : vector<16xi32>
          %le3A_370 = arith.constant 858993459 : i32
          %le3A_371 = vector.broadcast %le3A_370 : i32 to vector<16xi32>
          %le3A_372 = arith.cmpi ule, %mul3A_369, %le3A_371 : vector<16xi32>
          %bitcast3A_373 = vector.bitcast %mul3A_369 : vector<16xi32> to vector<16xi32>
          %add3A_374 = arith.constant 240 : i32
          %add3A_375 = arith.addi %mul3A_121, %add3A_374 : i32
          %get3A_376 = arith.constant 1 : i32
          %get3A_377 = arith.index_cast %get3A_376 : i32 to index
          %get3A_378 = arith.index_cast %add3A_375 : i32 to index
          %get3A_379 = tpu.vector_load %arg10[%get3A_377, %get3A_378] {strides = array<i32>} : memref<2x1280xi32, #tpu.memory_space<vmem>>, vector<16xi32>,
          %get3A_380 = arith.constant 0 : i32
          %get3A_381 = arith.index_cast %get3A_380 : i32 to index
          %get3A_382 = arith.index_cast %add3A_375 : i32 to index
          %get3A_383 = tpu.vector_load %arg10[%get3A_381, %get3A_382] {strides = array<i32>} : memref<2x1280xi32, #tpu.memory_space<vmem>>, vector<16xi32>,
          %mul3A_384 = arith.constant -858993459 : i32
          %mul3A_385 = vector.broadcast %mul3A_384 : i32 to vector<16xi32>
          %mul3A_386 = arith.muli %get3A_379, %mul3A_385 : vector<16xi32>
          %le3A_387 = arith.constant 858993459 : i32
          %le3A_388 = vector.broadcast %le3A_387 : i32 to vector<16xi32>
          %le3A_389 = arith.cmpi ule, %mul3A_386, %le3A_388 : vector<16xi32>
          %bitcast3A_390 = vector.bitcast %mul3A_386 : vector<16xi32> to vector<16xi32>
          %gather3A = tpu.vector_load_idx %arg5[%get3A_130] masked %le3A_135 : memref<100000xf32, #tpu.memory_space<vmem>>[vector<16xi32>], vector<16xf32>, vector<16xi1>
          %gather3A_391 = tpu.vector_load_idx %arg5[%get3A_145] masked %le3A_151 : memref<100000xf32, #tpu.memory_space<vmem>>[vector<16xi32>], vector<16xf32>, vector<16xi1>
          %gather3A_392 = tpu.vector_load_idx %arg5[%get3A_162] masked %le3A_168 : memref<100000xf32, #tpu.memory_space<vmem>>[vector<16xi32>], vector<16xf32>, vector<16xi1>
          %gather3A_393 = tpu.vector_load_idx %arg5[%get3A_179] masked %le3A_185 : memref<100000xf32, #tpu.memory_space<vmem>>[vector<16xi32>], vector<16xf32>, vector<16xi1>
          %gather3A_394 = tpu.vector_load_idx %arg5[%get3A_196] masked %le3A_202 : memref<100000xf32, #tpu.memory_space<vmem>>[vector<16xi32>], vector<16xf32>, vector<16xi1>
          %gather3A_395 = tpu.vector_load_idx %arg5[%get3A_213] masked %le3A_219 : memref<100000xf32, #tpu.memory_space<vmem>>[vector<16xi32>], vector<16xf32>, vector<16xi1>
          %gather3A_396 = tpu.vector_load_idx %arg5[%get3A_230] masked %le3A_236 : memref<100000xf32, #tpu.memory_space<vmem>>[vector<16xi32>], vector<16xf32>, vector<16xi1>
          %gather3A_397 = tpu.vector_load_idx %arg5[%get3A_247] masked %le3A_253 : memref<100000xf32, #tpu.memory_space<vmem>>[vector<16xi32>], vector<16xf32>, vector<16xi1>
          %gather3A_398 = tpu.vector_load_idx %arg5[%get3A_264] masked %le3A_270 : memref<100000xf32, #tpu.memory_space<vmem>>[vector<16xi32>], vector<16xf32>, vector<16xi1>
          %gather3A_399 = tpu.vector_load_idx %arg5[%get3A_281] masked %le3A_287 : memref<100000xf32, #tpu.memory_space<vmem>>[vector<16xi32>], vector<16xf32>, vector<16xi1>
          %gather3A_400 = tpu.vector_load_idx %arg5[%get3A_298] masked %le3A_304 : memref<100000xf32, #tpu.memory_space<vmem>>[vector<16xi32>], vector<16xf32>, vector<16xi1>
          %gather3A_401 = tpu.vector_load_idx %arg5[%get3A_315] masked %le3A_321 : memref<100000xf32, #tpu.memory_space<vmem>>[vector<16xi32>], vector<16xf32>, vector<16xi1>
          %gather3A_402 = tpu.vector_load_idx %arg5[%get3A_332] masked %le3A_338 : memref<100000xf32, #tpu.memory_space<vmem>>[vector<16xi32>], vector<16xf32>, vector<16xi1>
          %gather3A_403 = tpu.vector_load_idx %arg5[%get3A_349] masked %le3A_355 : memref<100000xf32, #tpu.memory_space<vmem>>[vector<16xi32>], vector<16xf32>, vector<16xi1>
          %gather3A_404 = tpu.vector_load_idx %arg5[%get3A_366] masked %le3A_372 : memref<100000xf32, #tpu.memory_space<vmem>>[vector<16xi32>], vector<16xf32>, vector<16xi1>
          %gather3A_405 = tpu.vector_load_idx %arg5[%get3A_383] masked %le3A_389 : memref<100000xf32, #tpu.memory_space<vmem>>[vector<16xi32>], vector<16xf32>, vector<16xi1>
          tpu.vector_store_idx %arg6[%bitcast3A], %gather3A masked %le3A_135 {add = true} : memref<20000xf32, #tpu.memory_space<vmem>>[vector<16xi32>], vector<16xf32>, vector<16xi1>
          tpu.vector_store_idx %arg6[%bitcast3A_152], %gather3A_391 masked %le3A_151 {add = true} : memref<20000xf32, #tpu.memory_space<vmem>>[vector<16xi32>], vector<16xf32>, vector<16xi1>
          tpu.vector_store_idx %arg6[%bitcast3A_169], %gather3A_392 masked %le3A_168 {add = true} : memref<20000xf32, #tpu.memory_space<vmem>>[vector<16xi32>], vector<16xf32>, vector<16xi1>
          tpu.vector_store_idx %arg6[%bitcast3A_186], %gather3A_393 masked %le3A_185 {add = true} : memref<20000xf32, #tpu.memory_space<vmem>>[vector<16xi32>], vector<16xf32>, vector<16xi1>
          tpu.vector_store_idx %arg6[%bitcast3A_203], %gather3A_394 masked %le3A_202 {add = true} : memref<20000xf32, #tpu.memory_space<vmem>>[vector<16xi32>], vector<16xf32>, vector<16xi1>
          tpu.vector_store_idx %arg6[%bitcast3A_220], %gather3A_395 masked %le3A_219 {add = true} : memref<20000xf32, #tpu.memory_space<vmem>>[vector<16xi32>], vector<16xf32>, vector<16xi1>
          tpu.vector_store_idx %arg6[%bitcast3A_237], %gather3A_396 masked %le3A_236 {add = true} : memref<20000xf32, #tpu.memory_space<vmem>>[vector<16xi32>], vector<16xf32>, vector<16xi1>
          tpu.vector_store_idx %arg6[%bitcast3A_254], %gather3A_397 masked %le3A_253 {add = true} : memref<20000xf32, #tpu.memory_space<vmem>>[vector<16xi32>], vector<16xf32>, vector<16xi1>
          tpu.vector_store_idx %arg6[%bitcast3A_271], %gather3A_398 masked %le3A_270 {add = true} : memref<20000xf32, #tpu.memory_space<vmem>>[vector<16xi32>], vector<16xf32>, vector<16xi1>
          tpu.vector_store_idx %arg6[%bitcast3A_288], %gather3A_399 masked %le3A_287 {add = true} : memref<20000xf32, #tpu.memory_space<vmem>>[vector<16xi32>], vector<16xf32>, vector<16xi1>
          tpu.vector_store_idx %arg6[%bitcast3A_305], %gather3A_400 masked %le3A_304 {add = true} : memref<20000xf32, #tpu.memory_space<vmem>>[vector<16xi32>], vector<16xf32>, vector<16xi1>
          tpu.vector_store_idx %arg6[%bitcast3A_322], %gather3A_401 masked %le3A_321 {add = true} : memref<20000xf32, #tpu.memory_space<vmem>>[vector<16xi32>], vector<16xf32>, vector<16xi1>
          tpu.vector_store_idx %arg6[%bitcast3A_339], %gather3A_402 masked %le3A_338 {add = true} : memref<20000xf32, #tpu.memory_space<vmem>>[vector<16xi32>], vector<16xf32>, vector<16xi1>
          tpu.vector_store_idx %arg6[%bitcast3A_356], %gather3A_403 masked %le3A_355 {add = true} : memref<20000xf32, #tpu.memory_space<vmem>>[vector<16xi32>], vector<16xf32>, vector<16xi1>
          tpu.vector_store_idx %arg6[%bitcast3A_373], %gather3A_404 masked %le3A_372 {add = true} : memref<20000xf32, #tpu.memory_space<vmem>>[vector<16xi32>], vector<16xf32>, vector<16xi1>
          tpu.vector_store_idx %arg6[%bitcast3A_390], %gather3A_405 masked %le3A_389 {add = true} : memref<20000xf32, #tpu.memory_space<vmem>>[vector<16xi32>], vector<16xf32>, vector<16xi1>
        }
        %scan3A_111 = arith.constant 5 : i32
        %add3A_112 = arith.constant 128 : i32
        %add3A_113 = arith.addi %add3A_95, %add3A_112 : i32
        %lt3A_114 = arith.constant 5000 : i32
        %lt3A_115 = arith.cmpi slt, %add3A_113, %lt3A_114 : i32
        %convert_element_type3A_116 = arith.extui %lt3A_115 : i1 to i32
        %cond3A_117 = arith.constant 0 : i32
        %cond3A_118 = arith.cmpi ne, %convert_element_type3A_116, %cond3A_117 : i32
        scf.if %cond3A_118 {
          %mul3A_119 = arith.constant 1280 : i32
          %mul3A_120 = arith.muli %add3A_113, %mul3A_119 : i32
          %dma_start3A_121 = arith.constant 0 : i32
          %dma_start3A_122 = tpu.memref_slice %arg3[%dma_start3A_121, %mul3A_120] : memref<2x6400000xi32, #tpu.memory_space<hbm>> -> memref<2x1280xi32, #tpu.memory_space<hbm>>
          %dma_start3A_123 = arith.constant 0 : i32
          %dma_start3A_124 = tpu.memref_slice %arg3[%dma_start3A_123, %mul3A_120] : memref<2x6400000xi32, #tpu.memory_space<hbm>> -> memref<2x1280xi32, #tpu.memory_space<hbm>>
          tpu.enqueue_dma source(%dma_start3A_124 : memref<2x1280xi32, #tpu.memory_space<hbm>>) target(%arg10 : memref<2x1280xi32, #tpu.memory_space<vmem>>) target_semaphore(%arg15 : memref<!tpu.dma_semaphore, #tpu.memory_space<semaphore_mem>>)
        } else {
        }
      } else {
      }
    }
    %scan3A_54 = arith.constant 40 : i32
    "tpu.region"() ({
      %run_scoped3A = tpu.sem_alloc : memref<!tpu.dma_semaphore, #tpu.memory_space<semaphore_mem>>
      %dma_start3A_55 = arith.constant 0 : i32
      %dma_start3A_56 = tpu.memref_slice %arg4[%add3A, %dma_start3A_55] : memref<32x20000xf32, #tpu.memory_space<hbm>> -> memref<1x20000xf32, #tpu.memory_space<hbm>>
      %dma_start3A_57 = tpu.memref_squeeze %dma_start3A_56 : memref<1x20000xf32, #tpu.memory_space<hbm>> -> memref<20000xf32, #tpu.memory_space<hbm>>
      %dma_start3A_58 = arith.constant 0 : i32
      %dma_start3A_59 = tpu.memref_slice %arg4[%add3A, %dma_start3A_58] : memref<32x20000xf32, #tpu.memory_space<hbm>> -> memref<1x20000xf32, #tpu.memory_space<hbm>>
      %dma_start3A_60 = tpu.memref_squeeze %dma_start3A_59 : memref<1x20000xf32, #tpu.memory_space<hbm>> -> memref<20000xf32, #tpu.memory_space<hbm>>
      tpu.enqueue_dma source(%arg6 : memref<20000xf32, #tpu.memory_space<vmem>>) target(%dma_start3A_60 : memref<20000xf32, #tpu.memory_space<hbm>>) target_semaphore(%run_scoped3A : memref<!tpu.dma_semaphore, #tpu.memory_space<semaphore_mem>>)
      %dma_wait3A = arith.constant 0 : i32
      %dma_wait3A_61 = tpu.memref_slice %arg4[%add3A, %dma_wait3A] : memref<32x20000xf32, #tpu.memory_space<hbm>> -> memref<1x20000xf32, #tpu.memory_space<hbm>>
      %dma_wait3A_62 = tpu.memref_squeeze %dma_wait3A_61 : memref<1x20000xf32, #tpu.memory_space<hbm>> -> memref<20000xf32, #tpu.memory_space<hbm>>
      %dma_wait3A_63 = arith.constant 0 : i32
      %dma_wait3A_64 = tpu.memref_slice %arg4[%add3A, %dma_wait3A_63] : memref<32x20000xf32, #tpu.memory_space<hbm>> -> memref<1x20000xf32, #tpu.memory_space<hbm>>
      %dma_wait3A_65 = tpu.memref_squeeze %dma_wait3A_64 : memref<1x20000xf32, #tpu.memory_space<hbm>> -> memref<20000xf32, #tpu.memory_space<hbm>>
      tpu.wait_dma2 semaphore(%run_scoped3A : memref<!tpu.dma_semaphore, #tpu.memory_space<semaphore_mem>>) src(%arg6 : memref<20000xf32, #tpu.memory_space<vmem>>) dst(%dma_wait3A_65 : memref<20000xf32, #tpu.memory_space<hbm>>)
      tpu.yield
    }) : () -> ()
    return
  }
}

module attributes {stable_mosaic.version = 14 : i64} {
  func.func @_tail_body(%arg0: memref<32x20000xf32, #tpu.memory_space<vmem>>, %arg1: memref<1x1xf32, #tpu.memory_space<smem>>, %arg2: memref<1xf32, #tpu.memory_space<smem>>, %arg3: memref<2x4xf32, #tpu.memory_space<smem>>, %arg4: memref<4xf32, #tpu.memory_space<smem>>, %arg5: memref<4x1xf32, #tpu.memory_space<smem>>, %arg6: memref<1xf32, #tpu.memory_space<smem>>, %arg7: memref<20000xf32, #tpu.memory_space<vmem>>) attributes {dimension_semantics = [], scalar_prefetch = 0 : i64, scratch_operands = 0 : i64, tpu.core_type = #tpu.core_type<tc>} {
    %get3A = arith.constant 0 : index
    %get3A_0 = arith.constant 0 : index
    %get3A_1 = vector.load %arg0[%get3A, %get3A_0] : memref<32x20000xf32, #tpu.memory_space<vmem>>, vector<32x20000xf32>
    %reduce_sum3A = arith.constant dense<0.000000e+00> : vector<20000xf32>
    %reduce_sum3A_2 = vector.multi_reduction <add>, %get3A_1, %reduce_sum3A [0] : vector<32x20000xf32> to vector<20000xf32>
    %get3A_3 = arith.constant 0 : index
    %get3A_4 = arith.constant 0 : index
    %get3A_5 = memref.load %arg1[%get3A_3, %get3A_4] : memref<1x1xf32, #tpu.memory_space<smem>>
    %mul3A = vector.broadcast %get3A_5 : f32 to vector<20000xf32>
    %mul3A_6 = arith.mulf %reduce_sum3A_2, %mul3A : vector<20000xf32>
    %get3A_7 = arith.constant 0 : index
    %get3A_8 = memref.load %arg2[%get3A_7] : memref<1xf32, #tpu.memory_space<smem>>
    %add3A = vector.broadcast %get3A_8 : f32 to vector<20000xf32>
    %add3A_9 = arith.addf %mul3A_6, %add3A : vector<20000xf32>
    %convert_element_type3A = arith.truncf %add3A_9 : vector<20000xf32> to vector<20000xbf16>
    %convert_element_type3A_10 = arith.extf %convert_element_type3A : vector<20000xbf16> to vector<20000xf32>
    %get3A_11 = arith.constant 0 : index
    %get3A_12 = memref.load %arg6[%get3A_11] : memref<1xf32, #tpu.memory_space<smem>>
    %broadcast_in_dim3A = vector.broadcast %get3A_12 : f32 to vector<20000xf32>
    %get3A_13 = arith.constant 0 : index
    %get3A_14 = arith.constant 0 : index
    %get3A_15 = memref.load %arg3[%get3A_13, %get3A_14] : memref<2x4xf32, #tpu.memory_space<smem>>
    %convert_element_type3A_16 = arith.truncf %get3A_15 : f32 to bf16
    %convert_element_type3A_17 = arith.extf %convert_element_type3A_16 : bf16 to f32
    %get3A_18 = arith.constant 1 : index
    %get3A_19 = arith.constant 0 : index
    %get3A_20 = memref.load %arg3[%get3A_18, %get3A_19] : memref<2x4xf32, #tpu.memory_space<smem>>
    %convert_element_type3A_21 = arith.truncf %get3A_20 : f32 to bf16
    %convert_element_type3A_22 = arith.extf %convert_element_type3A_21 : bf16 to f32
    %add3A_23 = arith.addf %convert_element_type3A_17, %convert_element_type3A_22 : f32
    %mul3A_24 = vector.broadcast %add3A_23 : f32 to vector<20000xf32>
    %mul3A_25 = arith.mulf %convert_element_type3A_10, %mul3A_24 : vector<20000xf32>
    %get3A_26 = arith.constant 0 : index
    %get3A_27 = memref.load %arg4[%get3A_26] : memref<4xf32, #tpu.memory_space<smem>>
    %add3A_28 = vector.broadcast %get3A_27 : f32 to vector<20000xf32>
    %add3A_29 = arith.addf %mul3A_25, %add3A_28 : vector<20000xf32>
    %max3A = arith.constant 0.000000e+00 : f32
    %max3A_30 = vector.broadcast %max3A : f32 to vector<20000xf32>
    %max3A_31 = arith.maximumf %add3A_29, %max3A_30 : vector<20000xf32>
    %convert_element_type3A_32 = arith.truncf %max3A_31 : vector<20000xf32> to vector<20000xbf16>
    %convert_element_type3A_33 = arith.extf %convert_element_type3A_32 : vector<20000xbf16> to vector<20000xf32>
    %get3A_34 = arith.constant 0 : index
    %get3A_35 = arith.constant 0 : index
    %get3A_36 = memref.load %arg5[%get3A_34, %get3A_35] : memref<4x1xf32, #tpu.memory_space<smem>>
    %convert_element_type3A_37 = arith.truncf %get3A_36 : f32 to bf16
    %convert_element_type3A_38 = arith.extf %convert_element_type3A_37 : bf16 to f32
    %mul3A_39 = vector.broadcast %convert_element_type3A_38 : f32 to vector<20000xf32>
    %mul3A_40 = arith.mulf %convert_element_type3A_33, %mul3A_39 : vector<20000xf32>
    %add3A_41 = arith.addf %broadcast_in_dim3A, %mul3A_40 : vector<20000xf32>
    %get3A_42 = arith.constant 0 : index
    %get3A_43 = arith.constant 1 : index
    %get3A_44 = memref.load %arg3[%get3A_42, %get3A_43] : memref<2x4xf32, #tpu.memory_space<smem>>
    %convert_element_type3A_45 = arith.truncf %get3A_44 : f32 to bf16
    %convert_element_type3A_46 = arith.extf %convert_element_type3A_45 : bf16 to f32
    %get3A_47 = arith.constant 1 : index
    %get3A_48 = arith.constant 1 : index
    %get3A_49 = memref.load %arg3[%get3A_47, %get3A_48] : memref<2x4xf32, #tpu.memory_space<smem>>
    %convert_element_type3A_50 = arith.truncf %get3A_49 : f32 to bf16
    %convert_element_type3A_51 = arith.extf %convert_element_type3A_50 : bf16 to f32
    %add3A_52 = arith.addf %convert_element_type3A_46, %convert_element_type3A_51 : f32
    %mul3A_53 = vector.broadcast %add3A_52 : f32 to vector<20000xf32>
    %mul3A_54 = arith.mulf %convert_element_type3A_10, %mul3A_53 : vector<20000xf32>
    %get3A_55 = arith.constant 1 : index
    %get3A_56 = memref.load %arg4[%get3A_55] : memref<4xf32, #tpu.memory_space<smem>>
    %add3A_57 = vector.broadcast %get3A_56 : f32 to vector<20000xf32>
    %add3A_58 = arith.addf %mul3A_54, %add3A_57 : vector<20000xf32>
    %max3A_59 = arith.constant 0.000000e+00 : f32
    %max3A_60 = vector.broadcast %max3A_59 : f32 to vector<20000xf32>
    %max3A_61 = arith.maximumf %add3A_58, %max3A_60 : vector<20000xf32>
    %convert_element_type3A_62 = arith.truncf %max3A_61 : vector<20000xf32> to vector<20000xbf16>
    %convert_element_type3A_63 = arith.extf %convert_element_type3A_62 : vector<20000xbf16> to vector<20000xf32>
    %get3A_64 = arith.constant 1 : index
    %get3A_65 = arith.constant 0 : index
    %get3A_66 = memref.load %arg5[%get3A_64, %get3A_65] : memref<4x1xf32, #tpu.memory_space<smem>>
    %convert_element_type3A_67 = arith.truncf %get3A_66 : f32 to bf16
    %convert_element_type3A_68 = arith.extf %convert_element_type3A_67 : bf16 to f32
    %mul3A_69 = vector.broadcast %convert_element_type3A_68 : f32 to vector<20000xf32>
    %mul3A_70 = arith.mulf %convert_element_type3A_63, %mul3A_69 : vector<20000xf32>
    %add3A_71 = arith.addf %add3A_41, %mul3A_70 : vector<20000xf32>
    %get3A_72 = arith.constant 0 : index
    %get3A_73 = arith.constant 2 : index
    %get3A_74 = memref.load %arg3[%get3A_72, %get3A_73] : memref<2x4xf32, #tpu.memory_space<smem>>
    %convert_element_type3A_75 = arith.truncf %get3A_74 : f32 to bf16
    %convert_element_type3A_76 = arith.extf %convert_element_type3A_75 : bf16 to f32
    %get3A_77 = arith.constant 1 : index
    %get3A_78 = arith.constant 2 : index
    %get3A_79 = memref.load %arg3[%get3A_77, %get3A_78] : memref<2x4xf32, #tpu.memory_space<smem>>
    %convert_element_type3A_80 = arith.truncf %get3A_79 : f32 to bf16
    %convert_element_type3A_81 = arith.extf %convert_element_type3A_80 : bf16 to f32
    %add3A_82 = arith.addf %convert_element_type3A_76, %convert_element_type3A_81 : f32
    %mul3A_83 = vector.broadcast %add3A_82 : f32 to vector<20000xf32>
    %mul3A_84 = arith.mulf %convert_element_type3A_10, %mul3A_83 : vector<20000xf32>
    %get3A_85 = arith.constant 2 : index
    %get3A_86 = memref.load %arg4[%get3A_85] : memref<4xf32, #tpu.memory_space<smem>>
    %add3A_87 = vector.broadcast %get3A_86 : f32 to vector<20000xf32>
    %add3A_88 = arith.addf %mul3A_84, %add3A_87 : vector<20000xf32>
    %max3A_89 = arith.constant 0.000000e+00 : f32
    %max3A_90 = vector.broadcast %max3A_89 : f32 to vector<20000xf32>
    %max3A_91 = arith.maximumf %add3A_88, %max3A_90 : vector<20000xf32>
    %convert_element_type3A_92 = arith.truncf %max3A_91 : vector<20000xf32> to vector<20000xbf16>
    %convert_element_type3A_93 = arith.extf %convert_element_type3A_92 : vector<20000xbf16> to vector<20000xf32>
    %get3A_94 = arith.constant 2 : index
    %get3A_95 = arith.constant 0 : index
    %get3A_96 = memref.load %arg5[%get3A_94, %get3A_95] : memref<4x1xf32, #tpu.memory_space<smem>>
    %convert_element_type3A_97 = arith.truncf %get3A_96 : f32 to bf16
    %convert_element_type3A_98 = arith.extf %convert_element_type3A_97 : bf16 to f32
    %mul3A_99 = vector.broadcast %convert_element_type3A_98 : f32 to vector<20000xf32>
    %mul3A_100 = arith.mulf %convert_element_type3A_93, %mul3A_99 : vector<20000xf32>
    %add3A_101 = arith.addf %add3A_71, %mul3A_100 : vector<20000xf32>
    %get3A_102 = arith.constant 0 : index
    %get3A_103 = arith.constant 3 : index
    %get3A_104 = memref.load %arg3[%get3A_102, %get3A_103] : memref<2x4xf32, #tpu.memory_space<smem>>
    %convert_element_type3A_105 = arith.truncf %get3A_104 : f32 to bf16
    %convert_element_type3A_106 = arith.extf %convert_element_type3A_105 : bf16 to f32
    %get3A_107 = arith.constant 1 : index
    %get3A_108 = arith.constant 3 : index
    %get3A_109 = memref.load %arg3[%get3A_107, %get3A_108] : memref<2x4xf32, #tpu.memory_space<smem>>
    %convert_element_type3A_110 = arith.truncf %get3A_109 : f32 to bf16
    %convert_element_type3A_111 = arith.extf %convert_element_type3A_110 : bf16 to f32
    %add3A_112 = arith.addf %convert_element_type3A_106, %convert_element_type3A_111 : f32
    %mul3A_113 = vector.broadcast %add3A_112 : f32 to vector<20000xf32>
    %mul3A_114 = arith.mulf %convert_element_type3A_10, %mul3A_113 : vector<20000xf32>
    %get3A_115 = arith.constant 3 : index
    %get3A_116 = memref.load %arg4[%get3A_115] : memref<4xf32, #tpu.memory_space<smem>>
    %add3A_117 = vector.broadcast %get3A_116 : f32 to vector<20000xf32>
    %add3A_118 = arith.addf %mul3A_114, %add3A_117 : vector<20000xf32>
    %max3A_119 = arith.constant 0.000000e+00 : f32
    %max3A_120 = vector.broadcast %max3A_119 : f32 to vector<20000xf32>
    %max3A_121 = arith.maximumf %add3A_118, %max3A_120 : vector<20000xf32>
    %convert_element_type3A_122 = arith.truncf %max3A_121 : vector<20000xf32> to vector<20000xbf16>
    %convert_element_type3A_123 = arith.extf %convert_element_type3A_122 : vector<20000xbf16> to vector<20000xf32>
    %get3A_124 = arith.constant 3 : index
    %get3A_125 = arith.constant 0 : index
    %get3A_126 = memref.load %arg5[%get3A_124, %get3A_125] : memref<4x1xf32, #tpu.memory_space<smem>>
    %convert_element_type3A_127 = arith.truncf %get3A_126 : f32 to bf16
    %convert_element_type3A_128 = arith.extf %convert_element_type3A_127 : bf16 to f32
    %mul3A_129 = vector.broadcast %convert_element_type3A_128 : f32 to vector<20000xf32>
    %mul3A_130 = arith.mulf %convert_element_type3A_123, %mul3A_129 : vector<20000xf32>
    %add3A_131 = arith.addf %add3A_101, %mul3A_130 : vector<20000xf32>
    %swap3A = arith.constant 0 : index
    %swap3A_132 = vector.load %arg7[%swap3A] : memref<20000xf32, #tpu.memory_space<vmem>>, vector<20000xf32>
    tpu.vector_store %arg7[%swap3A], %add3A_131 {strides = array<i32>} : memref<20000xf32, #tpu.memory_space<vmem>>, vector<20000xf32>,
    return
  }
}

</mosaic_0001>

<sc_bundles>
// kernel: kernel.4.cloned.1.call-start
scs
__scs_entry_jumppad:
0x0: {  	(pc) =	sbr.rel $0x88, $3  }
0x1: {  	(tag) =	ssettag $0x0;
	lr =	simm.s32 $0x1  }
0x2: {  	[smem:$0x3F99] =	sst lr;
	_ =	strace $0xD0000000  }
0x3: {  	_ = 	snop  }
0x4: {  	_ = 	snop  }
0x5: {  	_ = 	snop  }
0x6: {  	_ = 	snop  }
0x7: {  	_ = 	snop  }
__scs_overlays_trampoline_lowered:
0x8: {  	[smem:$0x3FA8] =	sst s0  }
0x9: {  	[smem:$0x3FA9] =	sst s1  }
0xa: {  	[smem:$0x3FAA] =	sst s2  }
0xb: {  	[smem:$0x3FAB] =	sst s3  }
0xc: {  	[smem:$0x3FAC] =	sst s4  }
0xd: {  	[smem:$0x3FAD] =	sst s5  }
0xe: {  	[smem:$0x3FAE] =	sst s6  }
0xf: {  	[smem:$0x3FAF] =	sst s7  }
0x10: {  	[smem:$0x3FB0] =	sst s8  }
0x11: {  	[smem:$0x3FB1] =	sst s9;
	s0 =	simm.s32 @!p0 $0x0  }
0x12: {  	s1 =	sld [smem:$0x3F97];
	s0 =	simm.s32 @p0 $0x1  }
0x13: {  	[smem:$0x3FB2] =	sst s0;
	s0 =	simm.s32 @!p1 $0x0  }
0x14: {  	s2 =	sld [smem:$0x3F96];
	s0 =	simm.s32 @p1 $0x1  }
0x15: {  	[smem:$0x3FB3] =	sst s0;
	s0 =	simm.s32 @!p2 $0x0  }
0x16: {  	s3 =	sld [smem:$0x3FDB];
	s0 =	simm.s32 @p2 $0x1  }
0x17: {  	s4 =	simm.s32 $0x1BF5;
	[smem:$0x3FB5] =	sst s0  }
0x18: {  	s0 =	sld [smem:$0x3F98];
	_ =	swait.ge [sflag:s4], $0x0  }
0x19: {  	s7 =	sld [smem:$0x3F99]  }
0x1a: {  	s8 =	sadd.s32 $0xFFFFE003, lr  }
0x1b: {  	s9 =	sadd.s32 $0xFFFFFEF7, lr;
	s5 =	simm.s32 $0xFFFFFFFF;
	p2 =	slt.u32 s8, $0xFFFFF086  }
0x1c: {  	p1 =	slt.u32 s9, $0xF7A;
	s5 =	simm.s32 @!p2 $0x0  }
0x1d: {  	s5 =	simm.s32 @p1 $0x1;
	p0 =	seq.s32 s7, s2  }
0x1e: {  	s7 =	smul.u32 @!p0 $0xF7A, s2;
	p2 =	seq.s32 @!p0 s5, $0x0  }
0x1f: {  	s9 =	smul.u32 $0xF7A, s1;
	s8 =	simm.s32 @!p0 $0x1BF5;
	p2 =	por !p2, p0  }
0x20: {  	[sflag:s8] =	ssyncset.s32 @!p0 $0xFFFFF086;
	s6 =	sadd.s32 @!p0 s3, s7;
	s7 =	simm.s32 @!p0 $0x108  }
0x21: {  	s3 =	sadd.s32 s3, s9;
	s6 =	sadd.s32 @!p0 $0x88, s6;
	s7 =	simm.s32 @p2 $0x1082  }
0x22: {  	[simem:s7], [sflag:s8] =	dma.local @!p0 [hbm:s6], $0xF7A  }
0x23: {  	s9 =	sor.u32 $0xD0000000, s2;
	s6 =	simm.s32 $0x108;
	_ =	swait.ge @!p0 [sflag:s8], $0x0  }
0x24: {  	s3 =	sadd.s32 $0x88, s3;
	s6 =	simm.s32 @!p1 $0x1082;
	[sflag:s4] =	ssyncset.s32 $0xFFFFF086  }
0x25: {  	[simem:s6], [sflag:s4] =	dma.local [hbm:s3], $0xF7A  }
0x26: {  	[smem:$0x3F99] =	sst s1;
	(tag) =	ssettag s2;
	_ =	strace s9  }
0x27: {  	s1 =	sld [smem:$0x3FA9]  }
0x28: {  	s2 =	sld [smem:$0x3FAA]  }
0x29: {  	s4 =	sld [smem:$0x3FAC]  }
0x2a: {  	p0 =	seq.s32 s5, $0x0;
	s5 =	sld [smem:$0x3FAD]  }
0x2b: {  	s6 =	sld [smem:$0x3FAE]  }
0x2c: {  	s7 =	sld [smem:$0x3FAF]  }
0x2d: {  	s3 =	simm.s32 $0x108;
	s8 =	sld [smem:$0x3FB0]  }
0x2e: {  	s3 =	simm.s32 @!p0 $0x1082;
	s9 =	sld [smem:$0x3FB1]  }
0x2f: {  	lr =	sadd.s32 s0, s3;
	s0 =	sld [smem:$0x3FA8]  }
0x30: {  	s3 =	sld [smem:$0x3FAB]  }
0x31: {  	[smem:$0x3FB4] =	sst s10  }
0x32: {  	s10 =	sld [smem:$0x3FB2];
	_ =	sdelay $0x3  }
0x33: {  	p0 =	seq.s32 s10, $0x1;
	s10 =	sld [smem:$0x3FB4];
	_ =	sdelay $0x3  }
0x34: {  	[smem:$0x3FB4] =	sst s10  }
0x35: {  	s10 =	sld [smem:$0x3FB3];
	_ =	sdelay $0x3  }
0x36: {  	p1 =	seq.s32 s10, $0x1;
	s10 =	sld [smem:$0x3FB4];
	_ =	sdelay $0x3  }
0x37: {  	[smem:$0x3FB4] =	sst s10  }
0x38: {  	s10 =	sld [smem:$0x3FB5]  }
0x39: {  	_ = 	snop;
	(pc) =	sbr.ind lr, $3  }
0x3a: {  	_ = 	snop  }
0x3b: {  	_ = 	snop  }
0x3c: {  	p2 =	seq.s32 s10, $0x1;
	s10 =	sld [smem:$0x3FB4]  }
0x3d: {  	_ =	shalt  }
0x3e: {  	_ =	shalt  }
0x3f: {  	_ =	shalt  }
0x40: {  	_ =	shalt  }
0x41: {  	_ =	shalt  }
0x42: {  	_ =	shalt  }
0x43: {  	_ =	shalt  }
0x44: {  	_ =	shalt  }
0x45: {  	_ =	shalt  }
0x46: {  	_ =	shalt  }
0x47: {  	_ =	shalt  }
0x48: {  	_ =	shalt  }
0x49: {  	_ =	shalt  }
0x4a: {  	_ =	shalt  }
0x4b: {  	_ =	shalt  }
0x4c: {  	_ =	shalt  }
0x4d: {  	_ =	shalt  }
0x4e: {  	_ =	shalt  }
0x4f: {  	_ =	shalt  }
0x50: {  	_ =	shalt  }
0x51: {  	_ =	shalt  }
0x52: {  	_ =	shalt  }
0x53: {  	_ =	shalt  }
0x54: {  	_ =	shalt  }
0x55: {  	_ =	shalt  }
0x56: {  	_ =	shalt  }
0x57: {  	_ =	shalt  }
0x58: {  	_ =	shalt  }
0x59: {  	_ =	shalt  }
0x5a: {  	_ =	shalt  }
0x5b: {  	_ =	shalt  }
0x5c: {  	_ =	shalt  }
0x5d: {  	_ =	shalt  }
0x5e: {  	_ =	shalt  }
0x5f: {  	_ =	shalt  }
0x60: {  	_ =	shalt  }
0x61: {  	_ =	shalt  }
0x62: {  	_ =	shalt  }
0x63: {  	_ =	shalt  }
0x64: {  	_ =	shalt  }
0x65: {  	_ =	shalt  }
0x66: {  	_ =	shalt  }
0x67: {  	_ =	shalt  }
0x68: {  	_ =	shalt  }
0x69: {  	_ =	shalt  }
0x6a: {  	_ =	shalt  }
0x6b: {  	_ =	shalt  }
0x6c: {  	_ =	shalt  }
0x6d: {  	_ =	shalt  }
0x6e: {  	_ =	shalt  }
0x6f: {  	_ =	shalt  }
0x70: {  	_ =	shalt  }
0x71: {  	_ =	shalt  }
0x72: {  	_ =	shalt  }
0x73: {  	_ =	shalt  }
0x74: {  	_ =	shalt  }
0x75: {  	_ =	shalt  }
0x76: {  	_ =	shalt  }
0x77: {  	_ =	shalt  }
0x78: {  	_ =	shalt  }
0x79: {  	_ =	shalt  }
0x7a: {  	_ =	shalt  }
0x7b: {  	_ =	shalt  }
0x7c: {  	_ =	shalt  }
0x7d: {  	_ =	shalt  }
0x7e: {  	_ =	shalt  }
0x7f: {  	_ =	shalt  }
0x80: {  	_ =	shalt  }
0x81: {  	_ =	shalt  }
0x82: {  	_ =	shalt  }
0x83: {  	_ =	shalt  }
0x84: {  	_ =	shalt  }
0x85: {  	_ =	shalt  }
0x86: {  	_ =	shalt  }
0x87: {  	_ =	shalt  }
.Lfunc_end0:
.L_simem_size_0:
called_computation_lowered:
.L_overlay_start_0:
0x88: {  	s2 =	sld [smem:$0x3FD9]  }
0x89: {  	s3 =	sld [smem:$0x3FFE];
	_ =	sdelay $0x1  }
0x8a: {  	s1 =	srdreg.scid  }
0x8b: {  	s0 =	sand.u32 $0x1, s1  }
0x8c: {  	s17 =	sshll.u32 s0, $0xA;
	s2 =	sadd.s32 s3, s2  }
0x8d: {  	s2 =	sadd.s32 s2, s17  }
0x8e: {  	[smem:$0x3FC0] =	sst s2  }
0x8f: {  	_ = 	snop  }
0x90: {  	s2 =	sld [smem:$0x3FC8];
	(tm) =	ssettm $0x1  }
0x91: {  	s18 =	sld [smem:$0x3FFB];
	_ =	sdelay $0x3  }
0x92: {  	_ =	strace s18  }
0x93: {  	s3 =	sld [smem:$0x3FFC];
	_ =	sdelay $0x3  }
0x94: {  	_ =	strace s3  }
0x95: {  	s3 =	sld [smem:$0x3FFD];
	_ =	sdelay $0x3  }
0x96: {  	_ =	strace s3  }
0x97: {  	_ =	strace $0x8FFFFFFF  }
0x98: {  	s19 =	sld [smem:$0x3FDB];
	_ =	sdelay $0x1  }
0x99: {  	s4 =	simm.s32 $_scs_section_size  }
0x9a: {  	s5 =	simm.s32 $_size__tile_overlayer_lowered;
	s6 =	simm.s32 $_tile_overlayer_lowered  }
0x9b: {  	s22 =	simm.s32 $0x1BFF;
	s21 =	sshll.u32 s6, $0x1;
	s3 =	sadd.s32 s4, s19  }
0x9c: {  	s7 =	simm.s32 $0x0;
	s20 =	sshll.u32 s5, $0x1;
	s5 =	sadd.s32 s21, s3  }
0x9d: {  	[timem:s7], [sflag:s22] =	dma.local [hbm:s5], s20  }
0x9e: {  	_ =	swait.ge [sflag:s22], s20  }
0x9f: {  	s4 =	ssub.s32 $0x0, s20;
	[sflag:s22] =	ssyncset.done $0x0  }
0xa0: {  	[sflag:s22] =	ssyncadd.s32 s4;
	_ =	sdelay $0x1  }
0xa1: {  	s23 =	simm.s32 $0x1B8B  }
0xa2: {  	_ =	swait.ge [sflag:s23], $0x1  }
0xa3: {  	[sflag:s23] =	ssyncset.done $0x0  }
0xa4: {  	s25 =	simm.s32 $0x1B8E;
	s24 =	sld [smem:$0x3FFE];
	[sflag:s23] =	ssyncadd.s32 $0xFFFFFFFF  }
0xa5: {  	s26 =	simm.s32 $execute0_lowered;
	[smem:$0x3FD2] =	sst s25  }
0xa6: {  	s5 =	sshll.u32 s26, $0x1;
	_ =	strace $0x80000046;
	[dreg:$0x1] =	wrdreg $0xFFFFFFFF  }
0xa7: {  	s28 =	simm.s32 $_size_execute0_lowered;
	s3 =	sadd.s32 s3, s5;
	[dreg:$0x0] =	wrdreg $0x0  }
0xa8: {  	s5 =	sshll.u32 s28, $0x1;
	[dreg:$0x2] =	wrdreg s3  }
0xa9: {  	[dreg:$0x3] =	wrdreg s5  }
0xaa: {  	[dreg:$0x4] =	wrdreg $0xC0  }
0xab: {  	_ =	task [dreg:s7], $0x5FFFF  }
0xac: {  	[dreg:$0x1] =	wrdreg $0xFFFFFFFF  }
0xad: {  	[dreg:$0x0] =	wrdreg $0x60  }
0xae: {  	[dreg:$0x2] =	wrdreg s24  }
0xaf: {  	[dreg:$0x3] =	wrdreg s2  }
0xb0: {  	[dreg:$0x4] =	wrdreg $0x9  }
0xb1: {  	_ =	task.clear_ibuf [dreg:s7], $0x5FFFF;
	_ =	strace $0x90000046  }
0xb2: {  	s29 =	simm.s32 $0x9;
	_ =	strace $0x80000048  }
0xb3: {  	_ =	swait.ge [sflag:s29], $0x1  }
0xb4: {  	[sflag:s29] =	ssyncadd.s32 $0xFFFFFFFF  }
0xb5: {  	_ =	strace $0x90000048  }
0xb6: {  	_ =	sfence  }
0xb7: {  	s30 =	sld [smem:$0x0];
	_ =	sdelay $0x2  }
0xb8: {  	s31 =	sshll.u32 s1, $0xD;
	s1 =	sshrl.u32 s1, $0x2  }
0xb9: {  	s3 =	sand.u32 $0x4000, s31;
	s1 =	sadd.s32 s1, s30  }
0xba: {  	s0 =	sor.u32 s3, s0;
	s1 =	sshll.u32 s1, $0x11  }
0xbb: {  	s0 =	sor.u32 s1, s0  }
0xbc: {  	s0 =	sadd.s32 $0x8F2B, s0  }
0xbd: {  	[sflag:s0] =	ssyncadd.remote.s32 $0x1  }
0xbe: {  	_ =	sfence.sel $0xFFFF  }
0xbf: {  	[dreg:$0x0] =	wrdreg $0xFFFFFFFF;
	(pc) =	sbr.abs _section_cstart, $3  }
0xc0: {  	[dreg:$0x1] =	wrdreg $0xFFFFFFFF  }
0xc1: {  	_ =	task.clear_ibuf [dreg:s7], $0x2FFFF;
	_ =	strace $0x9FFFFFFF  }
0xc2: {  	(tm) =	ssettm $0x7FFFFFFF  }
0xc3: {  	_ =	shalt  }
tec
execute0_lowered:
.L_overlay_start_1:
0x0: {  	(tag) =	ssettag $0x1  }
0x1: {  	s1 =	srdreg.scid;
	s7 =	rddreg [dreg:$0x0]  }
0x2: {  	s0 =	stileid.u32;
	s3 =	rddreg [dreg:$0x1];
	s4 =	simm.s32 $0x0  }
0x3: {  	s13 =	simm.s32 $0x1DF80;
	s14 =	simm.s32 $0x1E980;
	s15 =	simm.s32 $0x1F380  }
0x4: {  	s16 =	simm.s32 $0x1;
	s17 =	simm.s32 $0x2;
	s18 =	simm.s32 $0x18700  }
0x5: {  	s19 =	simm.s32 $0x3;
	s20 =	simm.s32 $0x4;
	s21 =	simm.s32 $0x5  }
0x6: {  	s22 =	simm.s32 $0x80;
	s23 =	simm.s32 $0x400;
	s24 =	simm.s32 $0x6  }
0x7: {  	s25 =	simm.s32 $0x0;
	s6 =	sand.u32 $0x1, s1;
	s1 =	rddreg [dreg:$0x2]  }
0x8: {  	s29 =	sshll.u32 s0, $0x1;
	s30 =	sshrl.u32 s0, $0x2;
	[smem:$0x7FF] =	sst s4  }
0x9: {  	s2 =	sor.u32 s6, s29;
	s5 =	smul.u32 $0x27400, s30;
	_ =	strace $0x80000047  }
0xa: {  	s6 =	ssub.s32 $0x2, s6;
	s8 =	sshll.u32 s2, $0x7;
	s9 =	smul.u32 $0xA00, s2  }
0xb: {  	s10 =	smul.u32 $0x140, s2;
	s31 =	sshrl.u32 s6, $0x1;
	s8 =	sand.u32 $0x380, s8  }
.Ltmp0:
0xc: {  	s12 =	ssub.s32 s6, s31;
	s8 =	sor.u32 s5, s8;
	(pc) =	sbr.rel .LBB2_1-.Ltmp0, $4  }
0xd: {  	s5 =	sadd.s32 $0x800, s7;
	s9 =	sshrl.u32 s9, $0x3;
	s8 =	sshrl.u32 s8, $0x3  }
0xe: {  	s6 =	sadd.s32 s3, s10;
	s9 =	sadd.s32 s3, s9;
	s11 =	sadd.s32 s8, s7  }
0xf: {  	s7 =	sadd.s32 $0x2800, s9;
	s8 =	sadd.s32 $0x5000, s9;
	s9 =	sadd.s32 $0x7800, s9  }
0x10: {  	v0 =	vimm.f32 $0.0e+00;
	s10 =	sadd.s32 $0x3A00, s11;
	s11 =	smax.u32 s12, $0x1;
	s12 =	simm.s32 $0x1D580  }
.LBB2_21:
0x11: {  	s25 =	sadd.s32 $0x1, s25  }
0x12: {  	p0 =	sne.s32 s25, s11  }
.Ltmp1:
0x13: {  	_ = 	snop;
	(pc) =	sbr.rel @!p0 .LBB2_22-.Ltmp1, $4  }
0x14: {  	[hbm4b:s10+s22] =	stream.strided.scatter [tilespmem:s18], [sflag:$0x6], $0x4E80, s23, s22, $0x38;
	[tilespmem:$0x1FD80] =	vst v63  }
0x15: {  	_ =	swait.ge [sflag:s24], $0x4E80  }
0x16: {  	[sflag:s24] =	ssyncset.done $0x0  }
0x17: {  	[sflag:s24] =	ssyncadd.s32 $0xFFFFB180  }
.LBB2_1:
0x18: {  	[tilespmem:s4], [sflag:$0x1] =	stream.linear.gather [hbm4b:s5+s4], $0x18700, $0x38;
	[tilespmem:$0x1FD80] =	vst v63  }
0x19: {  	_ = 	snop  }
0x1a: {  	[tilespmem:s12], [sflag:$0x2] =	stream.linear.gather [hbm4b:s6+s4], $0xA00, $0x38;
	[tilespmem:$0x1FD80] =	vst v63  }
0x1b: {  	_ = 	snop  }
0x1c: {  	[tilespmem:s13], [sflag:$0x3] =	stream.linear.gather [hbm4b:s7+s4], $0xA00, $0x38;
	[tilespmem:$0x1FD80] =	vst v63  }
0x1d: {  	_ = 	snop  }
0x1e: {  	[tilespmem:s14], [sflag:$0x4] =	stream.linear.gather [hbm4b:s8+s4], $0xA00, $0x38;
	[tilespmem:$0x1FD80] =	vst v63  }
0x1f: {  	s26 =	simm.s32 $0x18740  }
0x20: {  	[tilespmem:s15], [sflag:$0x5] =	stream.linear.gather [hbm4b:s9+s4], $0xA00, $0x38;
	[tilespmem:$0x1FD80] =	vst v63  }
0x21: {  	[tilespmem:s26+$0xFFFFFFC0] =	vst v0  }
0x22: {  	[tilespmem:s26+$0x30] =	vst v0  }
0x23: {  	[tilespmem:s26+$0x20] =	vst v0  }
0x24: {  	[tilespmem:s26+$0x10] =	vst v0  }
0x25: {  	[tilespmem:s26+$0x0] =	vst v0  }
0x26: {  	[tilespmem:s26+$0xFFFFFFF0] =	vst v0  }
0x27: {  	s28 =	simm.s32 $0x0;
	[tilespmem:s26+$0xFFFFFFE0] =	vst v0  }
.LBB2_2:
0x28: {  	s28 =	sadd.s32 $0x8, s28;
	[tilespmem:s26+$0xFFFFFFD0] =	vst v0;
	s26 =	sadd.s32 $0x80, s26  }
0x29: {  	[tilespmem:s26+$0xFFFFFFC0] =	vst v0;
	p0 =	slt.u32 s28, $0x4D8  }
0x2a: {  	[tilespmem:s26+$0x30] =	vst v0  }
.Ltmp2:
0x2b: {  	[tilespmem:s26+$0x20] =	vst v0;
	(pc) =	sbr.rel @p0 .LBB2_2-.Ltmp2, $4  }
0x2c: {  	[tilespmem:s26+$0x10] =	vst v0  }
0x2d: {  	[tilespmem:s26+$0x0] =	vst v0  }
0x2e: {  	[tilespmem:s26+$0xFFFFFFF0] =	vst v0  }
0x2f: {  	[tilespmem:s26+$0xFFFFFFE0] =	vst v0  }
0x30: {  	[tilespmem:s26+$0xFFFFFFD0] =	vst v0  }
.Ltmp3:
0x31: {  	[tilespmem:$0x1D500] =	vst v0;
	(pc) =	sbr.rel .LBB2_4-.Ltmp3, $4  }
0x32: {  	[tilespmem:$0x1D510] =	vst v0  }
0x33: {  	_ =	swait.ge [sflag:s16], $0x18700  }
0x34: {  	[sflag:s16] =	ssyncset.done $0x0  }
0x35: {  	s26 =	simm.s32 $0x0;
	[sflag:s16] =	ssyncadd.s32 $0xFFFE7900  }
.LBB2_20:
0x36: {  	s26 =	sadd.s32 $0x1, s26  }
0x37: {  	p0 =	sne.s32 s26, $0x28  }
.Ltmp4:
0x38: {  	_ = 	snop;
	(pc) =	sbr.rel @!p0 .LBB2_21-.Ltmp4, $1  }
0x39: {  	_ =	sdelay $0x3  }
.LBB2_4:
0x3a: {  	s28 =	sshll.u32 s26, $0x7  }
0x3b: {  	s28 =	sor.u32 s2, s28  }
0x3c: {  	p0 =	sgt.u32 s28, $0x1387  }
.Ltmp5:
0x3d: {  	_ = 	snop;
	(pc) =	sbr.rel @p0 .LBB2_8-.Ltmp5, $1  }
0x3e: {  	_ =	sdelay $0x3  }
0x3f: {  	_ =	swait.ge [sflag:s17], $0xA00  }
0x40: {  	[sflag:s17] =	ssyncset.done $0x0  }
0x41: {  	s29 =	simm.s32 $0x0;
	[sflag:s17] =	ssyncadd.s32 $0xFFFFF600  }
0x42: {  	v3 =	vld [tilespmem:s29+$0x1D6F0]  }
0x43: {  	v1 =	vld [tilespmem:s29+$0x1D770]  }
0x44: {  	v2 =	vld [tilespmem:s29+$0x1D760]  }
0x45: {  	v4 =	vld [tilespmem:s29+$0x1D5D0]  }
0x46: {  	v5 =	vld [tilespmem:s29+$0x1D690]  }
0x47: {  	v6 =	vld [tilespmem:s29+$0x1D6D0]  }
0x48: {  	v7 =	vld [tilespmem:s29+$0x1D5E0]  }
0x49: {  	v8 =	vld [tilespmem:s29+$0x1D590]  }
0x4a: {  	v9 =	vld [tilespmem:s29+$0x1D5A0]  }
0x4b: {  	v10 =	vld [tilespmem:s29+$0x1D5B0]  }
0x4c: {  	v11 =	vld [tilespmem:s29+$0x1D6C0]  }
0x4d: {  	v12 =	vld [tilespmem:s29+$0x1D750]  }
0x4e: {  	v13 =	vld [tilespmem:s29+$0x1D6A0]  }
0x4f: {  	v14 =	vld [tilespmem:s29+$0x1D6B0]  }
0x50: {  	v15 =	vld [tilespmem:s29+$0x1D740]  }
0x51: {  	v16 =	vld [tilespmem:s29+$0x1D730]  }
0x52: {  	v17 =	vld [tilespmem:s29+$0x1D720]  }
0x53: {  	v18 =	vld [tilespmem:s29+$0x1D680]  }
0x54: {  	v19 =	vld [tilespmem:s29+$0x1D660]  }
0x55: {  	v20 =	vld [tilespmem:s29+$0x1D700]  }
0x56: {  	v21 =	vld [tilespmem:s29+$0x1D670]  }
0x57: {  	v22 =	vld [tilespmem:s29+$0x1D630]  }
0x58: {  	v23 =	vld [tilespmem:s29+$0x1D620]  }
0x59: {  	v24 =	vld [tilespmem:s29+$0x1D710]  }
0x5a: {  	v25 =	vld [tilespmem:s29+$0x1D640];
	v19 =	vmul.u32 $0xCCCCCCCD, v19  }
0x5b: {  	v26 =	vld [tilespmem:s29+$0x1D600];
	v17 =	vmul.u32 $0xCCCCCCCD, v17  }
0x5c: {  	v27 =	vld [tilespmem:s29+$0x1D610];
	v20 =	vmul.u32 $0xCCCCCCCD, v20;
	vm4 =	vlt.u32 v19, $0x33333334  }
0x5d: {  	v28 =	vld [tilespmem:s29+$0x1D580];
	v12 =	vmul.u32 $0xCCCCCCCD, v12;
	vm3 =	vlt.u32 v17, $0x33333334  }
0x5e: {  	v29 =	vld [tilespmem:s29+$0x1D5C0];
	v15 =	vmul.u32 $0xCCCCCCCD, v15;
	vm5 =	vlt.u32 v20, $0x33333334  }
0x5f: {  	v30 =	vld [tilespmem:s29+$0x1D5F0];
	v16 =	vmul.u32 $0xCCCCCCCD, v16;
	vm1 =	vlt.u32 v12, $0x33333334  }
0x60: {  	v31 =	vld [tilespmem:s29+$0x1D650];
	v24 =	vmul.u32 $0xCCCCCCCD, v24;
	vm6 =	vlt.u32 v15, $0x33333334  }
0x61: {  	v32 =	vld [tilespmem:s29+$0x1D6E0];
	v22 =	vmul.u32 $0xCCCCCCCD, v22;
	vm7 =	vlt.u32 v16, $0x33333334  }
0x62: {  	v26 =	vmul.u32 $0xCCCCCCCD, v26;
	vm8 =	vlt.u32 v24, $0x33333334;
	v7 =	vld.idx.msk [tilespmem:v7+s4+$0x0], vm4  }
0x63: {  	v25 =	vmul.u32 $0xCCCCCCCD, v25;
	vm9 =	vlt.u32 v22, $0x33333334;
	v13 =	vld.idx.msk [tilespmem:v13+s4+$0x0], vm3  }
0x64: {  	v23 =	vmul.u32 $0xCCCCCCCD, v23;
	vm10 =	vlt.u32 v26, $0x33333334;
	v18 =	vld.idx.msk [tilespmem:v18+s4+$0x0], vm5  }
0x65: {  	v27 =	vmul.u32 $0xCCCCCCCD, v27;
	vm11 =	vlt.u32 v25, $0x33333334;
	v6 =	vld.idx.msk [tilespmem:v6+s4+$0x0], vm1  }
0x66: {  	v21 =	vmul.u32 $0xCCCCCCCD, v21;
	vm12 =	vlt.u32 v23, $0x33333334;
	v11 =	vld.idx.msk [tilespmem:v11+s4+$0x0], vm6  }
0x67: {  	v1 =	vmul.u32 $0xCCCCCCCD, v1;
	vm13 =	vlt.u32 v27, $0x33333334;
	v14 =	vld.idx.msk [tilespmem:v14+s4+$0x0], vm7  }
0x68: {  	v31 =	vmul.u32 $0xCCCCCCCD, v31;
	vm14 =	vlt.u32 v21, $0x33333334;
	v5 =	vld.idx.msk [tilespmem:v5+s4+$0x0], vm8  }
0x69: {  	v2 =	vmul.u32 $0xCCCCCCCD, v2;
	vm0 =	vlt.u32 v1, $0x33333334;
	v10 =	vld.idx.msk [tilespmem:v10+s4+$0x0], vm9  }
0x6a: {  	vm15 =	vlt.u32 v31, $0x33333334;
	v28 =	vld.idx.msk [tilespmem:v28+s4+$0x0], vm10  }
0x6b: {  	vm2 =	vlt.u32 v2, $0x33333334;
	v29 =	vld.idx.msk [tilespmem:v29+s4+$0x0], vm11  }
0x6c: {  	v9 =	vld.idx.msk [tilespmem:v9+s4+$0x0], vm12  }
0x6d: {  	v8 =	vld.idx.msk [tilespmem:v8+s4+$0x0], vm13  }
0x6e: {  	v30 =	vld.idx.msk [tilespmem:v30+s4+$0x0], vm14  }
0x6f: {  	v3 =	vld.idx.msk [tilespmem:v3+s4+$0x0], vm0  }
0x70: {  	v33 =	vld.idx.msk [tilespmem:v4+s4+$0x0], vm15  }
0x71: {  	v4 =	vld.idx.msk [tilespmem:v32+s4+$0x0], vm2  }
0x72: {  	[tilespmem:v26+s18+$0x0] =	vst.idx.add.f32.msk vm10, v28  }
0x73: {  	[tilespmem:v27+s18+$0x0] =	vst.idx.add.f32.msk vm13, v8  }
0x74: {  	[tilespmem:v23+s18+$0x0] =	vst.idx.add.f32.msk vm12, v9  }
0x75: {  	[tilespmem:v22+s18+$0x0] =	vst.idx.add.f32.msk vm9, v10  }
0x76: {  	[tilespmem:v25+s18+$0x0] =	vst.idx.add.f32.msk vm11, v29  }
0x77: {  	[tilespmem:v31+s18+$0x0] =	vst.idx.add.f32.msk vm15, v33  }
0x78: {  	[tilespmem:v19+s18+$0x0] =	vst.idx.add.f32.msk vm4, v7  }
0x79: {  	[tilespmem:v21+s18+$0x0] =	vst.idx.add.f32.msk vm14, v30  }
0x7a: {  	[tilespmem:v20+s18+$0x0] =	vst.idx.add.f32.msk vm5, v18  }
0x7b: {  	[tilespmem:v24+s18+$0x0] =	vst.idx.add.f32.msk vm8, v5  }
0x7c: {  	[tilespmem:v17+s18+$0x0] =	vst.idx.add.f32.msk vm3, v13  }
0x7d: {  	[tilespmem:v16+s18+$0x0] =	vst.idx.add.f32.msk vm7, v14  }
0x7e: {  	[tilespmem:v15+s18+$0x0] =	vst.idx.add.f32.msk vm6, v11  }
0x7f: {  	s29 =	simm.s32 $0x800;
	[tilespmem:v12+s18+$0x0] =	vst.idx.add.f32.msk vm1, v6  }
.LBB2_6:
0x80: {  	s30 =	sshra.s32 s29, $0x2;
	p0 =	sne.s32 s29, $0x2000;
	s29 =	sadd.s32 $0x800, s29;
	[tilespmem:v2+s18+$0x0] =	vst.idx.add.f32.msk vm2, v4  }
0x81: {  	[tilespmem:v1+s18+$0x0] =	vst.idx.add.f32.msk vm0, v3  }
0x82: {  	v3 =	vld [tilespmem:s30+$0x1D6F0]  }
0x83: {  	v1 =	vld [tilespmem:s30+$0x1D770]  }
0x84: {  	v2 =	vld [tilespmem:s30+$0x1D760]  }
0x85: {  	v4 =	vld [tilespmem:s30+$0x1D5D0]  }
0x86: {  	v5 =	vld [tilespmem:s30+$0x1D690]  }
0x87: {  	v6 =	vld [tilespmem:s30+$0x1D6D0]  }
0x88: {  	v7 =	vld [tilespmem:s30+$0x1D5E0]  }
0x89: {  	v8 =	vld [tilespmem:s30+$0x1D590]  }
0x8a: {  	v9 =	vld [tilespmem:s30+$0x1D5A0]  }
0x8b: {  	v10 =	vld [tilespmem:s30+$0x1D5B0]  }
0x8c: {  	v11 =	vld [tilespmem:s30+$0x1D6C0]  }
0x8d: {  	v12 =	vld [tilespmem:s30+$0x1D750]  }
0x8e: {  	v13 =	vld [tilespmem:s30+$0x1D6A0]  }
0x8f: {  	v14 =	vld [tilespmem:s30+$0x1D6B0]  }
0x90: {  	v15 =	vld [tilespmem:s30+$0x1D740]  }
0x91: {  	v16 =	vld [tilespmem:s30+$0x1D730]  }
0x92: {  	v17 =	vld [tilespmem:s30+$0x1D720]  }
0x93: {  	v18 =	vld [tilespmem:s30+$0x1D680]  }
0x94: {  	v19 =	vld [tilespmem:s30+$0x1D660]  }
0x95: {  	v20 =	vld [tilespmem:s30+$0x1D700]  }
0x96: {  	v21 =	vld [tilespmem:s30+$0x1D670]  }
0x97: {  	v22 =	vld [tilespmem:s30+$0x1D630]  }
0x98: {  	v23 =	vld [tilespmem:s30+$0x1D620]  }
0x99: {  	v12 =	vmul.u32 $0xCCCCCCCD, v12;
	v19 =	vmul.u32 $0xCCCCCCCD, v19;
	v24 =	vld [tilespmem:s30+$0x1D710]  }
0x9a: {  	v17 =	vmul.u32 $0xCCCCCCCD, v17;
	v25 =	vld [tilespmem:s30+$0x1D640];
	v20 =	vmul.u32 $0xCCCCCCCD, v20  }
0x9b: {  	vm1 =	vlt.u32 v12, $0x33333334;
	v26 =	vld [tilespmem:s30+$0x1D600];
	vm4 =	vlt.u32 v19, $0x33333334  }
0x9c: {  	v15 =	vmul.u32 $0xCCCCCCCD, v15;
	vm3 =	vlt.u32 v17, $0x33333334;
	v27 =	vld [tilespmem:s30+$0x1D610];
	vm5 =	vlt.u32 v20, $0x33333334  }
0x9d: {  	v16 =	vmul.u32 $0xCCCCCCCD, v16;
	v28 =	vld [tilespmem:s30+$0x1D580]  }
0x9e: {  	vm6 =	vlt.u32 v15, $0x33333334;
	v22 =	vmul.u32 $0xCCCCCCCD, v22;
	v29 =	vld [tilespmem:s30+$0x1D5C0];
	v24 =	vmul.u32 $0xCCCCCCCD, v24  }
0x9f: {  	vm7 =	vlt.u32 v16, $0x33333334;
	v23 =	vmul.u32 $0xCCCCCCCD, v23;
	v25 =	vmul.u32 $0xCCCCCCCD, v25;
	v30 =	vld [tilespmem:s30+$0x1D5F0]  }
0xa0: {  	v1 =	vmul.u32 $0xCCCCCCCD, v1;
	v21 =	vmul.u32 $0xCCCCCCCD, v21;
	v26 =	vmul.u32 $0xCCCCCCCD, v26;
	v31 =	vld [tilespmem:s30+$0x1D650]  }
0xa1: {  	v2 =	vmul.u32 $0xCCCCCCCD, v2;
	vm10 =	vlt.u32 v22, $0x33333334;
	vm11 =	vlt.u32 v23, $0x33333334;
	v7 =	vld.idx.msk [tilespmem:v7+s4+$0x0], vm4  }
0xa2: {  	vm0 =	vlt.u32 v1, $0x33333334;
	vm9 =	vlt.u32 v21, $0x33333334;
	vm8 =	vlt.u32 v24, $0x33333334;
	v13 =	vld.idx.msk [tilespmem:v13+s4+$0x0], vm3  }
0xa3: {  	vm2 =	vlt.u32 v2, $0x33333334;
	v27 =	vmul.u32 $0xCCCCCCCD, v27;
	vm12 =	vlt.u32 v25, $0x33333334;
	v18 =	vld.idx.msk [tilespmem:v18+s4+$0x0], vm5  }
0xa4: {  	vm13 =	vlt.u32 v26, $0x33333334;
	v6 =	vld.idx.msk [tilespmem:v6+s4+$0x0], vm1  }
0xa5: {  	vm14 =	vlt.u32 v27, $0x33333334;
	v11 =	vld.idx.msk [tilespmem:v11+s4+$0x0], vm6  }
0xa6: {  	v32 =	vld [tilespmem:s30+$0x1D6E0]  }
0xa7: {  	v31 =	vmul.u32 $0xCCCCCCCD, v31;
	v14 =	vld.idx.msk [tilespmem:v14+s4+$0x0], vm7  }
0xa8: {  	v5 =	vld.idx.msk [tilespmem:v5+s4+$0x0], vm8  }
0xa9: {  	vm15 =	vlt.u32 v31, $0x33333334;
	v10 =	vld.idx.msk [tilespmem:v10+s4+$0x0], vm10  }
0xaa: {  	v28 =	vld.idx.msk [tilespmem:v28+s4+$0x0], vm13  }
0xab: {  	v29 =	vld.idx.msk [tilespmem:v29+s4+$0x0], vm12  }
0xac: {  	v9 =	vld.idx.msk [tilespmem:v9+s4+$0x0], vm11  }
0xad: {  	v8 =	vld.idx.msk [tilespmem:v8+s4+$0x0], vm14  }
0xae: {  	v30 =	vld.idx.msk [tilespmem:v30+s4+$0x0], vm9  }
0xaf: {  	v3 =	vld.idx.msk [tilespmem:v3+s4+$0x0], vm0  }
0xb0: {  	v33 =	vld.idx.msk [tilespmem:v4+s4+$0x0], vm15  }
0xb1: {  	v4 =	vld.idx.msk [tilespmem:v32+s4+$0x0], vm2  }
0xb2: {  	[tilespmem:v26+s18+$0x0] =	vst.idx.add.f32.msk vm13, v28  }
0xb3: {  	[tilespmem:v27+s18+$0x0] =	vst.idx.add.f32.msk vm14, v8  }
0xb4: {  	[tilespmem:v23+s18+$0x0] =	vst.idx.add.f32.msk vm11, v9  }
0xb5: {  	[tilespmem:v22+s18+$0x0] =	vst.idx.add.f32.msk vm10, v10  }
0xb6: {  	[tilespmem:v25+s18+$0x0] =	vst.idx.add.f32.msk vm12, v29  }
0xb7: {  	[tilespmem:v31+s18+$0x0] =	vst.idx.add.f32.msk vm15, v33  }
0xb8: {  	[tilespmem:v19+s18+$0x0] =	vst.idx.add.f32.msk vm4, v7  }
0xb9: {  	[tilespmem:v21+s18+$0x0] =	vst.idx.add.f32.msk vm9, v30  }
0xba: {  	[tilespmem:v20+s18+$0x0] =	vst.idx.add.f32.msk vm5, v18  }
.Ltmp6:
0xbb: {  	[tilespmem:v24+s18+$0x0] =	vst.idx.add.f32.msk vm8, v5;
	(pc) =	sbr.rel @p0 .LBB2_6-.Ltmp6, $4  }
0xbc: {  	[tilespmem:v17+s18+$0x0] =	vst.idx.add.f32.msk vm3, v13  }
0xbd: {  	[tilespmem:v16+s18+$0x0] =	vst.idx.add.f32.msk vm7, v14  }
0xbe: {  	[tilespmem:v15+s18+$0x0] =	vst.idx.add.f32.msk vm6, v11  }
0xbf: {  	[tilespmem:v12+s18+$0x0] =	vst.idx.add.f32.msk vm1, v6  }
0xc0: {  	_ = 	snop  }
0xc1: {  	p0 =	sgt.u32 s28, $0x1307  }
0xc2: {  	s29 =	smul.u32 @!p0 $0xA00, s28;
	_ =	sdelay $0x1  }
0xc3: {  	s29 =	sshrl.u32 @!p0 s29, $0x3  }
0xc4: {  	[tilespmem:v2+s18+$0x0] =	vst.idx.add.f32.msk vm2, v4;
	s29 =	sadd.s32 @!p0 s3, s29  }
0xc5: {  	[tilespmem:v1+s18+$0x0] =	vst.idx.add.f32.msk vm0, v3;
	s30 =	simm.s32 @!p0 $0x0;
	s31 =	simm.s32 @!p0 $0x1D580;
	s29 =	sadd.s32 @!p0 $0xA000, s29  }
0xc6: {  	[tilespmem:s31], [sflag:$0x2] =	stream.linear.gather @!p0 [hbm4b:s29+s30], $0xA00, $0x38;
	[tilespmem:$0x1FD80] =	vst v63  }
.LBB2_8:
0xc7: {  	s29 =	sor.u32 $0x20, s28  }
0xc8: {  	p0 =	sgt.u32 s29, $0x1387  }
.Ltmp7:
0xc9: {  	_ = 	snop;
	(pc) =	sbr.rel @p0 .LBB2_12-.Ltmp7, $1  }
0xca: {  	_ =	sdelay $0x3  }
0xcb: {  	_ =	swait.ge [sflag:s19], $0xA00  }
0xcc: {  	[sflag:s19] =	ssyncset.done $0x0  }
0xcd: {  	s30 =	simm.s32 $0x0;
	[sflag:s19] =	ssyncadd.s32 $0xFFFFF600  }
0xce: {  	v3 =	vld [tilespmem:s30+$0x1E0F0]  }
0xcf: {  	v1 =	vld [tilespmem:s30+$0x1E170]  }
0xd0: {  	v2 =	vld [tilespmem:s30+$0x1E160]  }
0xd1: {  	v4 =	vld [tilespmem:s30+$0x1DFD0]  }
0xd2: {  	v5 =	vld [tilespmem:s30+$0x1E090]  }
0xd3: {  	v6 =	vld [tilespmem:s30+$0x1E0D0]  }
0xd4: {  	v7 =	vld [tilespmem:s30+$0x1DFE0]  }
0xd5: {  	v8 =	vld [tilespmem:s30+$0x1DF90]  }
0xd6: {  	v9 =	vld [tilespmem:s30+$0x1DFA0]  }
0xd7: {  	v10 =	vld [tilespmem:s30+$0x1DFB0]  }
0xd8: {  	v11 =	vld [tilespmem:s30+$0x1E0C0]  }
0xd9: {  	v12 =	vld [tilespmem:s30+$0x1E150]  }
0xda: {  	v13 =	vld [tilespmem:s30+$0x1E0A0]  }
0xdb: {  	v14 =	vld [tilespmem:s30+$0x1E0B0]  }
0xdc: {  	v15 =	vld [tilespmem:s30+$0x1E140]  }
0xdd: {  	v16 =	vld [tilespmem:s30+$0x1E130]  }
0xde: {  	v17 =	vld [tilespmem:s30+$0x1E120]  }
0xdf: {  	v18 =	vld [tilespmem:s30+$0x1E080]  }
0xe0: {  	v19 =	vld [tilespmem:s30+$0x1E060]  }
0xe1: {  	v20 =	vld [tilespmem:s30+$0x1E100]  }
0xe2: {  	v21 =	vld [tilespmem:s30+$0x1E070]  }
0xe3: {  	v22 =	vld [tilespmem:s30+$0x1E030]  }
0xe4: {  	v23 =	vld [tilespmem:s30+$0x1E020]  }
0xe5: {  	v24 =	vld [tilespmem:s30+$0x1E110]  }
0xe6: {  	v25 =	vld [tilespmem:s30+$0x1E040];
	v19 =	vmul.u32 $0xCCCCCCCD, v19  }
0xe7: {  	v26 =	vld [tilespmem:s30+$0x1E000];
	v17 =	vmul.u32 $0xCCCCCCCD, v17  }
0xe8: {  	v27 =	vld [tilespmem:s30+$0x1E010];
	v20 =	vmul.u32 $0xCCCCCCCD, v20;
	vm4 =	vlt.u32 v19, $0x33333334  }
0xe9: {  	v28 =	vld [tilespmem:s30+$0x1DF80];
	v12 =	vmul.u32 $0xCCCCCCCD, v12;
	vm3 =	vlt.u32 v17, $0x33333334  }
0xea: {  	v29 =	vld [tilespmem:s30+$0x1DFC0];
	v15 =	vmul.u32 $0xCCCCCCCD, v15;
	vm5 =	vlt.u32 v20, $0x33333334  }
0xeb: {  	v30 =	vld [tilespmem:s30+$0x1DFF0];
	v16 =	vmul.u32 $0xCCCCCCCD, v16;
	vm1 =	vlt.u32 v12, $0x33333334  }
0xec: {  	v31 =	vld [tilespmem:s30+$0x1E050];
	v24 =	vmul.u32 $0xCCCCCCCD, v24;
	vm6 =	vlt.u32 v15, $0x33333334  }
0xed: {  	v32 =	vld [tilespmem:s30+$0x1E0E0];
	v22 =	vmul.u32 $0xCCCCCCCD, v22;
	vm7 =	vlt.u32 v16, $0x33333334  }
0xee: {  	v26 =	vmul.u32 $0xCCCCCCCD, v26;
	vm8 =	vlt.u32 v24, $0x33333334;
	v7 =	vld.idx.msk [tilespmem:v7+s4+$0x0], vm4  }
0xef: {  	v25 =	vmul.u32 $0xCCCCCCCD, v25;
	vm9 =	vlt.u32 v22, $0x33333334;
	v13 =	vld.idx.msk [tilespmem:v13+s4+$0x0], vm3  }
0xf0: {  	v23 =	vmul.u32 $0xCCCCCCCD, v23;
	vm10 =	vlt.u32 v26, $0x33333334;
	v18 =	vld.idx.msk [tilespmem:v18+s4+$0x0], vm5  }
0xf1: {  	v27 =	vmul.u32 $0xCCCCCCCD, v27;
	vm11 =	vlt.u32 v25, $0x33333334;
	v6 =	vld.idx.msk [tilespmem:v6+s4+$0x0], vm1  }
0xf2: {  	v21 =	vmul.u32 $0xCCCCCCCD, v21;
	vm12 =	vlt.u32 v23, $0x33333334;
	v11 =	vld.idx.msk [tilespmem:v11+s4+$0x0], vm6  }
0xf3: {  	v1 =	vmul.u32 $0xCCCCCCCD, v1;
	vm13 =	vlt.u32 v27, $0x33333334;
	v14 =	vld.idx.msk [tilespmem:v14+s4+$0x0], vm7  }
0xf4: {  	v31 =	vmul.u32 $0xCCCCCCCD, v31;
	vm14 =	vlt.u32 v21, $0x33333334;
	v5 =	vld.idx.msk [tilespmem:v5+s4+$0x0], vm8  }
0xf5: {  	v2 =	vmul.u32 $0xCCCCCCCD, v2;
	vm0 =	vlt.u32 v1, $0x33333334;
	v10 =	vld.idx.msk [tilespmem:v10+s4+$0x0], vm9  }
0xf6: {  	vm15 =	vlt.u32 v31, $0x33333334;
	v28 =	vld.idx.msk [tilespmem:v28+s4+$0x0], vm10  }
0xf7: {  	vm2 =	vlt.u32 v2, $0x33333334;
	v29 =	vld.idx.msk [tilespmem:v29+s4+$0x0], vm11  }
0xf8: {  	v9 =	vld.idx.msk [tilespmem:v9+s4+$0x0], vm12  }
0xf9: {  	v8 =	vld.idx.msk [tilespmem:v8+s4+$0x0], vm13  }
0xfa: {  	v30 =	vld.idx.msk [tilespmem:v30+s4+$0x0], vm14  }
0xfb: {  	v3 =	vld.idx.msk [tilespmem:v3+s4+$0x0], vm0  }
0xfc: {  	v33 =	vld.idx.msk [tilespmem:v4+s4+$0x0], vm15  }
0xfd: {  	v4 =	vld.idx.msk [tilespmem:v32+s4+$0x0], vm2  }
0xfe: {  	[tilespmem:v26+s18+$0x0] =	vst.idx.add.f32.msk vm10, v28  }
0xff: {  	[tilespmem:v27+s18+$0x0] =	vst.idx.add.f32.msk vm13, v8  }
0x100: {  	[tilespmem:v23+s18+$0x0] =	vst.idx.add.f32.msk vm12, v9  }
0x101: {  	[tilespmem:v22+s18+$0x0] =	vst.idx.add.f32.msk vm9, v10  }
0x102: {  	[tilespmem:v25+s18+$0x0] =	vst.idx.add.f32.msk vm11, v29  }
0x103: {  	[tilespmem:v31+s18+$0x0] =	vst.idx.add.f32.msk vm15, v33  }
0x104: {  	[tilespmem:v19+s18+$0x0] =	vst.idx.add.f32.msk vm4, v7  }
0x105: {  	[tilespmem:v21+s18+$0x0] =	vst.idx.add.f32.msk vm14, v30  }
0x106: {  	[tilespmem:v20+s18+$0x0] =	vst.idx.add.f32.msk vm5, v18  }
0x107: {  	[tilespmem:v24+s18+$0x0] =	vst.idx.add.f32.msk vm8, v5  }
0x108: {  	[tilespmem:v17+s18+$0x0] =	vst.idx.add.f32.msk vm3, v13  }
0x109: {  	[tilespmem:v16+s18+$0x0] =	vst.idx.add.f32.msk vm7, v14  }
0x10a: {  	[tilespmem:v15+s18+$0x0] =	vst.idx.add.f32.msk vm6, v11  }
0x10b: {  	s30 =	simm.s32 $0x800;
	[tilespmem:v12+s18+$0x0] =	vst.idx.add.f32.msk vm1, v6  }
.LBB2_10:
0x10c: {  	s31 =	sshra.s32 s30, $0x2;
	p0 =	sne.s32 s30, $0x2000;
	s30 =	sadd.s32 $0x800, s30;
	[tilespmem:v2+s18+$0x0] =	vst.idx.add.f32.msk vm2, v4  }
0x10d: {  	[tilespmem:v1+s18+$0x0] =	vst.idx.add.f32.msk vm0, v3  }
0x10e: {  	v3 =	vld [tilespmem:s31+$0x1E0F0]  }
0x10f: {  	v1 =	vld [tilespmem:s31+$0x1E170]  }
0x110: {  	v2 =	vld [tilespmem:s31+$0x1E160]  }
0x111: {  	v4 =	vld [tilespmem:s31+$0x1DFD0]  }
0x112: {  	v5 =	vld [tilespmem:s31+$0x1E090]  }
0x113: {  	v6 =	vld [tilespmem:s31+$0x1E0D0]  }
0x114: {  	v7 =	vld [tilespmem:s31+$0x1DFE0]  }
0x115: {  	v8 =	vld [tilespmem:s31+$0x1DF90]  }
0x116: {  	v9 =	vld [tilespmem:s31+$0x1DFA0]  }
0x117: {  	v10 =	vld [tilespmem:s31+$0x1DFB0]  }
0x118: {  	v11 =	vld [tilespmem:s31+$0x1E0C0]  }
0x119: {  	v12 =	vld [tilespmem:s31+$0x1E150]  }
0x11a: {  	v13 =	vld [tilespmem:s31+$0x1E0A0]  }
0x11b: {  	v14 =	vld [tilespmem:s31+$0x1E0B0]  }
0x11c: {  	v15 =	vld [tilespmem:s31+$0x1E140]  }
0x11d: {  	v16 =	vld [tilespmem:s31+$0x1E130]  }
0x11e: {  	v17 =	vld [tilespmem:s31+$0x1E120]  }
0x11f: {  	v18 =	vld [tilespmem:s31+$0x1E080]  }
0x120: {  	v19 =	vld [tilespmem:s31+$0x1E060]  }
0x121: {  	v20 =	vld [tilespmem:s31+$0x1E100]  }
0x122: {  	v21 =	vld [tilespmem:s31+$0x1E070]  }
0x123: {  	v22 =	vld [tilespmem:s31+$0x1E030]  }
0x124: {  	v23 =	vld [tilespmem:s31+$0x1E020]  }
0x125: {  	v12 =	vmul.u32 $0xCCCCCCCD, v12;
	v19 =	vmul.u32 $0xCCCCCCCD, v19;
	v24 =	vld [tilespmem:s31+$0x1E110]  }
0x126: {  	v17 =	vmul.u32 $0xCCCCCCCD, v17;
	v25 =	vld [tilespmem:s31+$0x1E040];
	v20 =	vmul.u32 $0xCCCCCCCD, v20  }
0x127: {  	vm1 =	vlt.u32 v12, $0x33333334;
	v26 =	vld [tilespmem:s31+$0x1E000];
	vm4 =	vlt.u32 v19, $0x33333334  }
0x128: {  	v15 =	vmul.u32 $0xCCCCCCCD, v15;
	vm3 =	vlt.u32 v17, $0x33333334;
	v27 =	vld [tilespmem:s31+$0x1E010];
	vm5 =	vlt.u32 v20, $0x33333334  }
0x129: {  	v16 =	vmul.u32 $0xCCCCCCCD, v16;
	v28 =	vld [tilespmem:s31+$0x1DF80]  }
0x12a: {  	vm6 =	vlt.u32 v15, $0x33333334;
	v22 =	vmul.u32 $0xCCCCCCCD, v22;
	v29 =	vld [tilespmem:s31+$0x1DFC0];
	v24 =	vmul.u32 $0xCCCCCCCD, v24  }
0x12b: {  	vm7 =	vlt.u32 v16, $0x33333334;
	v23 =	vmul.u32 $0xCCCCCCCD, v23;
	v25 =	vmul.u32 $0xCCCCCCCD, v25;
	v30 =	vld [tilespmem:s31+$0x1DFF0]  }
0x12c: {  	v1 =	vmul.u32 $0xCCCCCCCD, v1;
	v21 =	vmul.u32 $0xCCCCCCCD, v21;
	v26 =	vmul.u32 $0xCCCCCCCD, v26;
	v31 =	vld [tilespmem:s31+$0x1E050]  }
0x12d: {  	v2 =	vmul.u32 $0xCCCCCCCD, v2;
	vm10 =	vlt.u32 v22, $0x33333334;
	vm11 =	vlt.u32 v23, $0x33333334;
	v7 =	vld.idx.msk [tilespmem:v7+s4+$0x0], vm4  }
0x12e: {  	vm0 =	vlt.u32 v1, $0x33333334;
	vm9 =	vlt.u32 v21, $0x33333334;
	vm8 =	vlt.u32 v24, $0x33333334;
	v13 =	vld.idx.msk [tilespmem:v13+s4+$0x0], vm3  }
0x12f: {  	vm2 =	vlt.u32 v2, $0x33333334;
	v27 =	vmul.u32 $0xCCCCCCCD, v27;
	vm12 =	vlt.u32 v25, $0x33333334;
	v18 =	vld.idx.msk [tilespmem:v18+s4+$0x0], vm5  }
0x130: {  	vm13 =	vlt.u32 v26, $0x33333334;
	v6 =	vld.idx.msk [tilespmem:v6+s4+$0x0], vm1  }
0x131: {  	vm14 =	vlt.u32 v27, $0x33333334;
	v11 =	vld.idx.msk [tilespmem:v11+s4+$0x0], vm6  }
0x132: {  	v32 =	vld [tilespmem:s31+$0x1E0E0]  }
0x133: {  	v31 =	vmul.u32 $0xCCCCCCCD, v31;
	v14 =	vld.idx.msk [tilespmem:v14+s4+$0x0], vm7  }
0x134: {  	v5 =	vld.idx.msk [tilespmem:v5+s4+$0x0], vm8  }
0x135: {  	vm15 =	vlt.u32 v31, $0x33333334;
	v10 =	vld.idx.msk [tilespmem:v10+s4+$0x0], vm10  }
0x136: {  	v28 =	vld.idx.msk [tilespmem:v28+s4+$0x0], vm13  }
0x137: {  	v29 =	vld.idx.msk [tilespmem:v29+s4+$0x0], vm12  }
0x138: {  	v9 =	vld.idx.msk [tilespmem:v9+s4+$0x0], vm11  }
0x139: {  	v8 =	vld.idx.msk [tilespmem:v8+s4+$0x0], vm14  }
0x13a: {  	v30 =	vld.idx.msk [tilespmem:v30+s4+$0x0], vm9  }
0x13b: {  	v3 =	vld.idx.msk [tilespmem:v3+s4+$0x0], vm0  }
0x13c: {  	v33 =	vld.idx.msk [tilespmem:v4+s4+$0x0], vm15  }
0x13d: {  	v4 =	vld.idx.msk [tilespmem:v32+s4+$0x0], vm2  }
0x13e: {  	[tilespmem:v26+s18+$0x0] =	vst.idx.add.f32.msk vm13, v28  }
0x13f: {  	[tilespmem:v27+s18+$0x0] =	vst.idx.add.f32.msk vm14, v8  }
0x140: {  	[tilespmem:v23+s18+$0x0] =	vst.idx.add.f32.msk vm11, v9  }
0x141: {  	[tilespmem:v22+s18+$0x0] =	vst.idx.add.f32.msk vm10, v10  }
0x142: {  	[tilespmem:v25+s18+$0x0] =	vst.idx.add.f32.msk vm12, v29  }
0x143: {  	[tilespmem:v31+s18+$0x0] =	vst.idx.add.f32.msk vm15, v33  }
0x144: {  	[tilespmem:v19+s18+$0x0] =	vst.idx.add.f32.msk vm4, v7  }
0x145: {  	[tilespmem:v21+s18+$0x0] =	vst.idx.add.f32.msk vm9, v30  }
0x146: {  	[tilespmem:v20+s18+$0x0] =	vst.idx.add.f32.msk vm5, v18  }
.Ltmp8:
0x147: {  	[tilespmem:v24+s18+$0x0] =	vst.idx.add.f32.msk vm8, v5;
	(pc) =	sbr.rel @p0 .LBB2_10-.Ltmp8, $4  }
0x148: {  	[tilespmem:v17+s18+$0x0] =	vst.idx.add.f32.msk vm3, v13  }
0x149: {  	[tilespmem:v16+s18+$0x0] =	vst.idx.add.f32.msk vm7, v14  }
0x14a: {  	[tilespmem:v15+s18+$0x0] =	vst.idx.add.f32.msk vm6, v11  }
0x14b: {  	[tilespmem:v12+s18+$0x0] =	vst.idx.add.f32.msk vm1, v6  }
0x14c: {  	_ = 	snop  }
0x14d: {  	p0 =	sgt.u32 s29, $0x1307  }
0x14e: {  	s29 =	smul.u32 @!p0 $0xA00, s29;
	_ =	sdelay $0x1  }
0x14f: {  	s29 =	sshrl.u32 @!p0 s29, $0x3  }
0x150: {  	[tilespmem:v2+s18+$0x0] =	vst.idx.add.f32.msk vm2, v4;
	s29 =	sadd.s32 @!p0 s3, s29  }
0x151: {  	[tilespmem:v1+s18+$0x0] =	vst.idx.add.f32.msk vm0, v3;
	s30 =	simm.s32 @!p0 $0x0;
	s31 =	simm.s32 @!p0 $0x1DF80;
	s29 =	sadd.s32 @!p0 $0xA000, s29  }
0x152: {  	[tilespmem:s31], [sflag:$0x3] =	stream.linear.gather @!p0 [hbm4b:s29+s30], $0xA00, $0x38;
	[tilespmem:$0x1FD80] =	vst v63  }
.LBB2_12:
0x153: {  	s29 =	sor.u32 $0x40, s28  }
0x154: {  	p0 =	sgt.u32 s29, $0x1387  }
.Ltmp9:
0x155: {  	_ = 	snop;
	(pc) =	sbr.rel @p0 .LBB2_16-.Ltmp9, $1  }
0x156: {  	_ =	sdelay $0x3  }
0x157: {  	_ =	swait.ge [sflag:s20], $0xA00  }
0x158: {  	[sflag:s20] =	ssyncset.done $0x0  }
0x159: {  	s30 =	simm.s32 $0x0;
	[sflag:s20] =	ssyncadd.s32 $0xFFFFF600  }
0x15a: {  	v3 =	vld [tilespmem:s30+$0x1EAF0]  }
0x15b: {  	v1 =	vld [tilespmem:s30+$0x1EB70]  }
0x15c: {  	v2 =	vld [tilespmem:s30+$0x1EB60]  }
0x15d: {  	v4 =	vld [tilespmem:s30+$0x1E9D0]  }
0x15e: {  	v5 =	vld [tilespmem:s30+$0x1EA90]  }
0x15f: {  	v6 =	vld [tilespmem:s30+$0x1EAD0]  }
0x160: {  	v7 =	vld [tilespmem:s30+$0x1E9E0]  }
0x161: {  	v8 =	vld [tilespmem:s30+$0x1E990]  }
0x162: {  	v9 =	vld [tilespmem:s30+$0x1E9A0]  }
0x163: {  	v10 =	vld [tilespmem:s30+$0x1E9B0]  }
0x164: {  	v11 =	vld [tilespmem:s30+$0x1EAC0]  }
0x165: {  	v12 =	vld [tilespmem:s30+$0x1EB50]  }
0x166: {  	v13 =	vld [tilespmem:s30+$0x1EAA0]  }
0x167: {  	v14 =	vld [tilespmem:s30+$0x1EAB0]  }
0x168: {  	v15 =	vld [tilespmem:s30+$0x1EB40]  }
0x169: {  	v16 =	vld [tilespmem:s30+$0x1EB30]  }
0x16a: {  	v17 =	vld [tilespmem:s30+$0x1EB20]  }
0x16b: {  	v18 =	vld [tilespmem:s30+$0x1EA80]  }
0x16c: {  	v19 =	vld [tilespmem:s30+$0x1EA60]  }
0x16d: {  	v20 =	vld [tilespmem:s30+$0x1EB00]  }
0x16e: {  	v21 =	vld [tilespmem:s30+$0x1EA70]  }
0x16f: {  	v22 =	vld [tilespmem:s30+$0x1EA30]  }
0x170: {  	v23 =	vld [tilespmem:s30+$0x1EA20]  }
0x171: {  	v24 =	vld [tilespmem:s30+$0x1EB10]  }
0x172: {  	v25 =	vld [tilespmem:s30+$0x1EA40];
	v19 =	vmul.u32 $0xCCCCCCCD, v19  }
0x173: {  	v26 =	vld [tilespmem:s30+$0x1EA00];
	v17 =	vmul.u32 $0xCCCCCCCD, v17  }
0x174: {  	v27 =	vld [tilespmem:s30+$0x1EA10];
	v20 =	vmul.u32 $0xCCCCCCCD, v20;
	vm4 =	vlt.u32 v19, $0x33333334  }
0x175: {  	v28 =	vld [tilespmem:s30+$0x1E980];
	v12 =	vmul.u32 $0xCCCCCCCD, v12;
	vm3 =	vlt.u32 v17, $0x33333334  }
0x176: {  	v29 =	vld [tilespmem:s30+$0x1E9C0];
	v15 =	vmul.u32 $0xCCCCCCCD, v15;
	vm5 =	vlt.u32 v20, $0x33333334  }
0x177: {  	v30 =	vld [tilespmem:s30+$0x1E9F0];
	v16 =	vmul.u32 $0xCCCCCCCD, v16;
	vm1 =	vlt.u32 v12, $0x33333334  }
0x178: {  	v31 =	vld [tilespmem:s30+$0x1EA50];
	v24 =	vmul.u32 $0xCCCCCCCD, v24;
	vm6 =	vlt.u32 v15, $0x33333334  }
0x179: {  	v32 =	vld [tilespmem:s30+$0x1EAE0];
	v22 =	vmul.u32 $0xCCCCCCCD, v22;
	vm7 =	vlt.u32 v16, $0x33333334  }
0x17a: {  	v26 =	vmul.u32 $0xCCCCCCCD, v26;
	vm8 =	vlt.u32 v24, $0x33333334;
	v7 =	vld.idx.msk [tilespmem:v7+s4+$0x0], vm4  }
0x17b: {  	v25 =	vmul.u32 $0xCCCCCCCD, v25;
	vm9 =	vlt.u32 v22, $0x33333334;
	v13 =	vld.idx.msk [tilespmem:v13+s4+$0x0], vm3  }
0x17c: {  	v23 =	vmul.u32 $0xCCCCCCCD, v23;
	vm10 =	vlt.u32 v26, $0x33333334;
	v18 =	vld.idx.msk [tilespmem:v18+s4+$0x0], vm5  }
0x17d: {  	v27 =	vmul.u32 $0xCCCCCCCD, v27;
	vm11 =	vlt.u32 v25, $0x33333334;
	v6 =	vld.idx.msk [tilespmem:v6+s4+$0x0], vm1  }
0x17e: {  	v21 =	vmul.u32 $0xCCCCCCCD, v21;
	vm12 =	vlt.u32 v23, $0x33333334;
	v11 =	vld.idx.msk [tilespmem:v11+s4+$0x0], vm6  }
0x17f: {  	v1 =	vmul.u32 $0xCCCCCCCD, v1;
	vm13 =	vlt.u32 v27, $0x33333334;
	v14 =	vld.idx.msk [tilespmem:v14+s4+$0x0], vm7  }
0x180: {  	v31 =	vmul.u32 $0xCCCCCCCD, v31;
	vm14 =	vlt.u32 v21, $0x33333334;
	v5 =	vld.idx.msk [tilespmem:v5+s4+$0x0], vm8  }
0x181: {  	v2 =	vmul.u32 $0xCCCCCCCD, v2;
	vm0 =	vlt.u32 v1, $0x33333334;
	v10 =	vld.idx.msk [tilespmem:v10+s4+$0x0], vm9  }
0x182: {  	vm15 =	vlt.u32 v31, $0x33333334;
	v28 =	vld.idx.msk [tilespmem:v28+s4+$0x0], vm10  }
0x183: {  	vm2 =	vlt.u32 v2, $0x33333334;
	v29 =	vld.idx.msk [tilespmem:v29+s4+$0x0], vm11  }
0x184: {  	v9 =	vld.idx.msk [tilespmem:v9+s4+$0x0], vm12  }
0x185: {  	v8 =	vld.idx.msk [tilespmem:v8+s4+$0x0], vm13  }
0x186: {  	v30 =	vld.idx.msk [tilespmem:v30+s4+$0x0], vm14  }
0x187: {  	v3 =	vld.idx.msk [tilespmem:v3+s4+$0x0], vm0  }
0x188: {  	v33 =	vld.idx.msk [tilespmem:v4+s4+$0x0], vm15  }
0x189: {  	v4 =	vld.idx.msk [tilespmem:v32+s4+$0x0], vm2  }
0x18a: {  	[tilespmem:v26+s18+$0x0] =	vst.idx.add.f32.msk vm10, v28  }
0x18b: {  	[tilespmem:v27+s18+$0x0] =	vst.idx.add.f32.msk vm13, v8  }
0x18c: {  	[tilespmem:v23+s18+$0x0] =	vst.idx.add.f32.msk vm12, v9  }
0x18d: {  	[tilespmem:v22+s18+$0x0] =	vst.idx.add.f32.msk vm9, v10  }
0x18e: {  	[tilespmem:v25+s18+$0x0] =	vst.idx.add.f32.msk vm11, v29  }
0x18f: {  	[tilespmem:v31+s18+$0x0] =	vst.idx.add.f32.msk vm15, v33  }
0x190: {  	[tilespmem:v19+s18+$0x0] =	vst.idx.add.f32.msk vm4, v7  }
0x191: {  	[tilespmem:v21+s18+$0x0] =	vst.idx.add.f32.msk vm14, v30  }
0x192: {  	[tilespmem:v20+s18+$0x0] =	vst.idx.add.f32.msk vm5, v18  }
0x193: {  	[tilespmem:v24+s18+$0x0] =	vst.idx.add.f32.msk vm8, v5  }
0x194: {  	[tilespmem:v17+s18+$0x0] =	vst.idx.add.f32.msk vm3, v13  }
0x195: {  	[tilespmem:v16+s18+$0x0] =	vst.idx.add.f32.msk vm7, v14  }
0x196: {  	[tilespmem:v15+s18+$0x0] =	vst.idx.add.f32.msk vm6, v11  }
0x197: {  	s30 =	simm.s32 $0x800;
	[tilespmem:v12+s18+$0x0] =	vst.idx.add.f32.msk vm1, v6  }
.LBB2_14:
0x198: {  	s31 =	sshra.s32 s30, $0x2;
	p0 =	sne.s32 s30, $0x2000;
	s30 =	sadd.s32 $0x800, s30;
	[tilespmem:v2+s18+$0x0] =	vst.idx.add.f32.msk vm2, v4  }
0x199: {  	[tilespmem:v1+s18+$0x0] =	vst.idx.add.f32.msk vm0, v3  }
0x19a: {  	v3 =	vld [tilespmem:s31+$0x1EAF0]  }
0x19b: {  	v1 =	vld [tilespmem:s31+$0x1EB70]  }
0x19c: {  	v2 =	vld [tilespmem:s31+$0x1EB60]  }
0x19d: {  	v4 =	vld [tilespmem:s31+$0x1E9D0]  }
0x19e: {  	v5 =	vld [tilespmem:s31+$0x1EA90]  }
0x19f: {  	v6 =	vld [tilespmem:s31+$0x1EAD0]  }
0x1a0: {  	v7 =	vld [tilespmem:s31+$0x1E9E0]  }
0x1a1: {  	v8 =	vld [tilespmem:s31+$0x1E990]  }
0x1a2: {  	v9 =	vld [tilespmem:s31+$0x1E9A0]  }
0x1a3: {  	v10 =	vld [tilespmem:s31+$0x1E9B0]  }
0x1a4: {  	v11 =	vld [tilespmem:s31+$0x1EAC0]  }
0x1a5: {  	v12 =	vld [tilespmem:s31+$0x1EB50]  }
0x1a6: {  	v13 =	vld [tilespmem:s31+$0x1EAA0]  }
0x1a7: {  	v14 =	vld [tilespmem:s31+$0x1EAB0]  }
0x1a8: {  	v15 =	vld [tilespmem:s31+$0x1EB40]  }
0x1a9: {  	v16 =	vld [tilespmem:s31+$0x1EB30]  }
0x1aa: {  	v17 =	vld [tilespmem:s31+$0x1EB20]  }
0x1ab: {  	v18 =	vld [tilespmem:s31+$0x1EA80]  }
0x1ac: {  	v19 =	vld [tilespmem:s31+$0x1EA60]  }
0x1ad: {  	v20 =	vld [tilespmem:s31+$0x1EB00]  }
0x1ae: {  	v21 =	vld [tilespmem:s31+$0x1EA70]  }
0x1af: {  	v22 =	vld [tilespmem:s31+$0x1EA30]  }
0x1b0: {  	v23 =	vld [tilespmem:s31+$0x1EA20]  }
0x1b1: {  	v12 =	vmul.u32 $0xCCCCCCCD, v12;
	v19 =	vmul.u32 $0xCCCCCCCD, v19;
	v24 =	vld [tilespmem:s31+$0x1EB10]  }
0x1b2: {  	v17 =	vmul.u32 $0xCCCCCCCD, v17;
	v25 =	vld [tilespmem:s31+$0x1EA40];
	v20 =	vmul.u32 $0xCCCCCCCD, v20  }
0x1b3: {  	vm1 =	vlt.u32 v12, $0x33333334;
	v26 =	vld [tilespmem:s31+$0x1EA00];
	vm4 =	vlt.u32 v19, $0x33333334  }
0x1b4: {  	v15 =	vmul.u32 $0xCCCCCCCD, v15;
	vm3 =	vlt.u32 v17, $0x33333334;
	v27 =	vld [tilespmem:s31+$0x1EA10];
	vm5 =	vlt.u32 v20, $0x33333334  }
0x1b5: {  	v16 =	vmul.u32 $0xCCCCCCCD, v16;
	v28 =	vld [tilespmem:s31+$0x1E980]  }
0x1b6: {  	vm6 =	vlt.u32 v15, $0x33333334;
	v22 =	vmul.u32 $0xCCCCCCCD, v22;
	v29 =	vld [tilespmem:s31+$0x1E9C0];
	v24 =	vmul.u32 $0xCCCCCCCD, v24  }
0x1b7: {  	vm7 =	vlt.u32 v16, $0x33333334;
	v23 =	vmul.u32 $0xCCCCCCCD, v23;
	v25 =	vmul.u32 $0xCCCCCCCD, v25;
	v30 =	vld [tilespmem:s31+$0x1E9F0]  }
0x1b8: {  	v1 =	vmul.u32 $0xCCCCCCCD, v1;
	v21 =	vmul.u32 $0xCCCCCCCD, v21;
	v26 =	vmul.u32 $0xCCCCCCCD, v26;
	v31 =	vld [tilespmem:s31+$0x1EA50]  }
0x1b9: {  	v2 =	vmul.u32 $0xCCCCCCCD, v2;
	vm10 =	vlt.u32 v22, $0x33333334;
	vm11 =	vlt.u32 v23, $0x33333334;
	v7 =	vld.idx.msk [tilespmem:v7+s4+$0x0], vm4  }
0x1ba: {  	vm0 =	vlt.u32 v1, $0x33333334;
	vm9 =	vlt.u32 v21, $0x33333334;
	vm8 =	vlt.u32 v24, $0x33333334;
	v13 =	vld.idx.msk [tilespmem:v13+s4+$0x0], vm3  }
0x1bb: {  	vm2 =	vlt.u32 v2, $0x33333334;
	v27 =	vmul.u32 $0xCCCCCCCD, v27;
	vm12 =	vlt.u32 v25, $0x33333334;
	v18 =	vld.idx.msk [tilespmem:v18+s4+$0x0], vm5  }
0x1bc: {  	vm13 =	vlt.u32 v26, $0x33333334;
	v6 =	vld.idx.msk [tilespmem:v6+s4+$0x0], vm1  }
0x1bd: {  	vm14 =	vlt.u32 v27, $0x33333334;
	v11 =	vld.idx.msk [tilespmem:v11+s4+$0x0], vm6  }
0x1be: {  	v32 =	vld [tilespmem:s31+$0x1EAE0]  }
0x1bf: {  	v31 =	vmul.u32 $0xCCCCCCCD, v31;
	v14 =	vld.idx.msk [tilespmem:v14+s4+$0x0], vm7  }
0x1c0: {  	v5 =	vld.idx.msk [tilespmem:v5+s4+$0x0], vm8  }
0x1c1: {  	vm15 =	vlt.u32 v31, $0x33333334;
	v10 =	vld.idx.msk [tilespmem:v10+s4+$0x0], vm10  }
0x1c2: {  	v28 =	vld.idx.msk [tilespmem:v28+s4+$0x0], vm13  }
0x1c3: {  	v29 =	vld.idx.msk [tilespmem:v29+s4+$0x0], vm12  }
0x1c4: {  	v9 =	vld.idx.msk [tilespmem:v9+s4+$0x0], vm11  }
0x1c5: {  	v8 =	vld.idx.msk [tilespmem:v8+s4+$0x0], vm14  }
0x1c6: {  	v30 =	vld.idx.msk [tilespmem:v30+s4+$0x0], vm9  }
0x1c7: {  	v3 =	vld.idx.msk [tilespmem:v3+s4+$0x0], vm0  }
0x1c8: {  	v33 =	vld.idx.msk [tilespmem:v4+s4+$0x0], vm15  }
0x1c9: {  	v4 =	vld.idx.msk [tilespmem:v32+s4+$0x0], vm2  }
0x1ca: {  	[tilespmem:v26+s18+$0x0] =	vst.idx.add.f32.msk vm13, v28  }
0x1cb: {  	[tilespmem:v27+s18+$0x0] =	vst.idx.add.f32.msk vm14, v8  }
0x1cc: {  	[tilespmem:v23+s18+$0x0] =	vst.idx.add.f32.msk vm11, v9  }
0x1cd: {  	[tilespmem:v22+s18+$0x0] =	vst.idx.add.f32.msk vm10, v10  }
0x1ce: {  	[tilespmem:v25+s18+$0x0] =	vst.idx.add.f32.msk vm12, v29  }
0x1cf: {  	[tilespmem:v31+s18+$0x0] =	vst.idx.add.f32.msk vm15, v33  }
0x1d0: {  	[tilespmem:v19+s18+$0x0] =	vst.idx.add.f32.msk vm4, v7  }
0x1d1: {  	[tilespmem:v21+s18+$0x0] =	vst.idx.add.f32.msk vm9, v30  }
0x1d2: {  	[tilespmem:v20+s18+$0x0] =	vst.idx.add.f32.msk vm5, v18  }
.Ltmp10:
0x1d3: {  	[tilespmem:v24+s18+$0x0] =	vst.idx.add.f32.msk vm8, v5;
	(pc) =	sbr.rel @p0 .LBB2_14-.Ltmp10, $4  }
0x1d4: {  	[tilespmem:v17+s18+$0x0] =	vst.idx.add.f32.msk vm3, v13  }
0x1d5: {  	[tilespmem:v16+s18+$0x0] =	vst.idx.add.f32.msk vm7, v14  }
0x1d6: {  	[tilespmem:v15+s18+$0x0] =	vst.idx.add.f32.msk vm6, v11  }
0x1d7: {  	[tilespmem:v12+s18+$0x0] =	vst.idx.add.f32.msk vm1, v6  }
0x1d8: {  	_ = 	snop  }
0x1d9: {  	p0 =	sgt.u32 s29, $0x1307  }
0x1da: {  	s29 =	smul.u32 @!p0 $0xA00, s29;
	_ =	sdelay $0x1  }
0x1db: {  	s29 =	sshrl.u32 @!p0 s29, $0x3  }
0x1dc: {  	[tilespmem:v2+s18+$0x0] =	vst.idx.add.f32.msk vm2, v4;
	s29 =	sadd.s32 @!p0 s3, s29  }
0x1dd: {  	[tilespmem:v1+s18+$0x0] =	vst.idx.add.f32.msk vm0, v3;
	s30 =	simm.s32 @!p0 $0x0;
	s31 =	simm.s32 @!p0 $0x1E980;
	s29 =	sadd.s32 @!p0 $0xA000, s29  }
0x1de: {  	[tilespmem:s31], [sflag:$0x4] =	stream.linear.gather @!p0 [hbm4b:s29+s30], $0xA00, $0x38;
	[tilespmem:$0x1FD80] =	vst v63  }
.LBB2_16:
0x1df: {  	s28 =	sor.u32 $0x60, s28  }
0x1e0: {  	p0 =	sgt.u32 s28, $0x1387  }
.Ltmp11:
0x1e1: {  	_ = 	snop;
	(pc) =	sbr.rel @p0 .LBB2_20-.Ltmp11, $1  }
0x1e2: {  	_ =	sdelay $0x3  }
0x1e3: {  	_ =	swait.ge [sflag:s21], $0xA00  }
0x1e4: {  	[sflag:s21] =	ssyncset.done $0x0  }
0x1e5: {  	s29 =	simm.s32 $0x0;
	[sflag:s21] =	ssyncadd.s32 $0xFFFFF600  }
0x1e6: {  	v3 =	vld [tilespmem:s29+$0x1F4F0]  }
0x1e7: {  	v1 =	vld [tilespmem:s29+$0x1F570]  }
0x1e8: {  	v2 =	vld [tilespmem:s29+$0x1F560]  }
0x1e9: {  	v4 =	vld [tilespmem:s29+$0x1F3D0]  }
0x1ea: {  	v5 =	vld [tilespmem:s29+$0x1F490]  }
0x1eb: {  	v6 =	vld [tilespmem:s29+$0x1F4D0]  }
0x1ec: {  	v7 =	vld [tilespmem:s29+$0x1F3E0]  }
0x1ed: {  	v8 =	vld [tilespmem:s29+$0x1F390]  }
0x1ee: {  	v9 =	vld [tilespmem:s29+$0x1F3A0]  }
0x1ef: {  	v10 =	vld [tilespmem:s29+$0x1F3B0]  }
0x1f0: {  	v11 =	vld [tilespmem:s29+$0x1F4C0]  }
0x1f1: {  	v12 =	vld [tilespmem:s29+$0x1F550]  }
0x1f2: {  	v13 =	vld [tilespmem:s29+$0x1F4A0]  }
0x1f3: {  	v14 =	vld [tilespmem:s29+$0x1F4B0]  }
0x1f4: {  	v15 =	vld [tilespmem:s29+$0x1F540]  }
0x1f5: {  	v16 =	vld [tilespmem:s29+$0x1F530]  }
0x1f6: {  	v17 =	vld [tilespmem:s29+$0x1F520]  }
0x1f7: {  	v18 =	vld [tilespmem:s29+$0x1F480]  }
0x1f8: {  	v19 =	vld [tilespmem:s29+$0x1F460]  }
0x1f9: {  	v20 =	vld [tilespmem:s29+$0x1F500]  }
0x1fa: {  	v21 =	vld [tilespmem:s29+$0x1F470]  }
0x1fb: {  	v22 =	vld [tilespmem:s29+$0x1F430]  }
0x1fc: {  	v23 =	vld [tilespmem:s29+$0x1F420]  }
0x1fd: {  	v24 =	vld [tilespmem:s29+$0x1F510]  }
0x1fe: {  	v25 =	vld [tilespmem:s29+$0x1F440];
	v19 =	vmul.u32 $0xCCCCCCCD, v19  }
0x1ff: {  	v26 =	vld [tilespmem:s29+$0x1F400];
	v17 =	vmul.u32 $0xCCCCCCCD, v17  }
0x200: {  	v27 =	vld [tilespmem:s29+$0x1F410];
	v20 =	vmul.u32 $0xCCCCCCCD, v20;
	vm4 =	vlt.u32 v19, $0x33333334  }
0x201: {  	v28 =	vld [tilespmem:s29+$0x1F380];
	v12 =	vmul.u32 $0xCCCCCCCD, v12;
	vm3 =	vlt.u32 v17, $0x33333334  }
0x202: {  	v29 =	vld [tilespmem:s29+$0x1F3C0];
	v15 =	vmul.u32 $0xCCCCCCCD, v15;
	vm5 =	vlt.u32 v20, $0x33333334  }
0x203: {  	v30 =	vld [tilespmem:s29+$0x1F3F0];
	v16 =	vmul.u32 $0xCCCCCCCD, v16;
	vm1 =	vlt.u32 v12, $0x33333334  }
0x204: {  	v31 =	vld [tilespmem:s29+$0x1F450];
	v24 =	vmul.u32 $0xCCCCCCCD, v24;
	vm6 =	vlt.u32 v15, $0x33333334  }
0x205: {  	v32 =	vld [tilespmem:s29+$0x1F4E0];
	v22 =	vmul.u32 $0xCCCCCCCD, v22;
	vm7 =	vlt.u32 v16, $0x33333334  }
0x206: {  	v26 =	vmul.u32 $0xCCCCCCCD, v26;
	vm8 =	vlt.u32 v24, $0x33333334;
	v7 =	vld.idx.msk [tilespmem:v7+s4+$0x0], vm4  }
0x207: {  	v25 =	vmul.u32 $0xCCCCCCCD, v25;
	vm9 =	vlt.u32 v22, $0x33333334;
	v13 =	vld.idx.msk [tilespmem:v13+s4+$0x0], vm3  }
0x208: {  	v23 =	vmul.u32 $0xCCCCCCCD, v23;
	vm10 =	vlt.u32 v26, $0x33333334;
	v18 =	vld.idx.msk [tilespmem:v18+s4+$0x0], vm5  }
0x209: {  	v27 =	vmul.u32 $0xCCCCCCCD, v27;
	vm11 =	vlt.u32 v25, $0x33333334;
	v6 =	vld.idx.msk [tilespmem:v6+s4+$0x0], vm1  }
0x20a: {  	v21 =	vmul.u32 $0xCCCCCCCD, v21;
	vm12 =	vlt.u32 v23, $0x33333334;
	v11 =	vld.idx.msk [tilespmem:v11+s4+$0x0], vm6  }
0x20b: {  	v1 =	vmul.u32 $0xCCCCCCCD, v1;
	vm13 =	vlt.u32 v27, $0x33333334;
	v14 =	vld.idx.msk [tilespmem:v14+s4+$0x0], vm7  }
0x20c: {  	v31 =	vmul.u32 $0xCCCCCCCD, v31;
	vm14 =	vlt.u32 v21, $0x33333334;
	v5 =	vld.idx.msk [tilespmem:v5+s4+$0x0], vm8  }
0x20d: {  	v2 =	vmul.u32 $0xCCCCCCCD, v2;
	vm0 =	vlt.u32 v1, $0x33333334;
	v10 =	vld.idx.msk [tilespmem:v10+s4+$0x0], vm9  }
0x20e: {  	vm15 =	vlt.u32 v31, $0x33333334;
	v28 =	vld.idx.msk [tilespmem:v28+s4+$0x0], vm10  }
0x20f: {  	vm2 =	vlt.u32 v2, $0x33333334;
	v29 =	vld.idx.msk [tilespmem:v29+s4+$0x0], vm11  }
0x210: {  	v9 =	vld.idx.msk [tilespmem:v9+s4+$0x0], vm12  }
0x211: {  	v8 =	vld.idx.msk [tilespmem:v8+s4+$0x0], vm13  }
0x212: {  	v30 =	vld.idx.msk [tilespmem:v30+s4+$0x0], vm14  }
0x213: {  	v3 =	vld.idx.msk [tilespmem:v3+s4+$0x0], vm0  }
0x214: {  	v33 =	vld.idx.msk [tilespmem:v4+s4+$0x0], vm15  }
0x215: {  	v4 =	vld.idx.msk [tilespmem:v32+s4+$0x0], vm2  }
0x216: {  	[tilespmem:v26+s18+$0x0] =	vst.idx.add.f32.msk vm10, v28  }
0x217: {  	[tilespmem:v27+s18+$0x0] =	vst.idx.add.f32.msk vm13, v8  }
0x218: {  	[tilespmem:v23+s18+$0x0] =	vst.idx.add.f32.msk vm12, v9  }
0x219: {  	[tilespmem:v22+s18+$0x0] =	vst.idx.add.f32.msk vm9, v10  }
0x21a: {  	[tilespmem:v25+s18+$0x0] =	vst.idx.add.f32.msk vm11, v29  }
0x21b: {  	[tilespmem:v31+s18+$0x0] =	vst.idx.add.f32.msk vm15, v33  }
0x21c: {  	[tilespmem:v19+s18+$0x0] =	vst.idx.add.f32.msk vm4, v7  }
0x21d: {  	[tilespmem:v21+s18+$0x0] =	vst.idx.add.f32.msk vm14, v30  }
0x21e: {  	[tilespmem:v20+s18+$0x0] =	vst.idx.add.f32.msk vm5, v18  }
0x21f: {  	[tilespmem:v24+s18+$0x0] =	vst.idx.add.f32.msk vm8, v5  }
0x220: {  	[tilespmem:v17+s18+$0x0] =	vst.idx.add.f32.msk vm3, v13  }
0x221: {  	[tilespmem:v16+s18+$0x0] =	vst.idx.add.f32.msk vm7, v14  }
0x222: {  	[tilespmem:v15+s18+$0x0] =	vst.idx.add.f32.msk vm6, v11  }
0x223: {  	s29 =	simm.s32 $0x800;
	[tilespmem:v12+s18+$0x0] =	vst.idx.add.f32.msk vm1, v6  }
.LBB2_18:
0x224: {  	s30 =	sshra.s32 s29, $0x2;
	p0 =	sne.s32 s29, $0x2000;
	s29 =	sadd.s32 $0x800, s29;
	[tilespmem:v2+s18+$0x0] =	vst.idx.add.f32.msk vm2, v4  }
0x225: {  	[tilespmem:v1+s18+$0x0] =	vst.idx.add.f32.msk vm0, v3  }
0x226: {  	v3 =	vld [tilespmem:s30+$0x1F4F0]  }
0x227: {  	v1 =	vld [tilespmem:s30+$0x1F570]  }
0x228: {  	v2 =	vld [tilespmem:s30+$0x1F560]  }
0x229: {  	v4 =	vld [tilespmem:s30+$0x1F3D0]  }
0x22a: {  	v5 =	vld [tilespmem:s30+$0x1F490]  }
0x22b: {  	v6 =	vld [tilespmem:s30+$0x1F4D0]  }
0x22c: {  	v7 =	vld [tilespmem:s30+$0x1F3E0]  }
0x22d: {  	v8 =	vld [tilespmem:s30+$0x1F390]  }
0x22e: {  	v9 =	vld [tilespmem:s30+$0x1F3A0]  }
0x22f: {  	v10 =	vld [tilespmem:s30+$0x1F3B0]  }
0x230: {  	v11 =	vld [tilespmem:s30+$0x1F4C0]  }
0x231: {  	v12 =	vld [tilespmem:s30+$0x1F550]  }
0x232: {  	v13 =	vld [tilespmem:s30+$0x1F4A0]  }
0x233: {  	v14 =	vld [tilespmem:s30+$0x1F4B0]  }
0x234: {  	v15 =	vld [tilespmem:s30+$0x1F540]  }
0x235: {  	v16 =	vld [tilespmem:s30+$0x1F530]  }
0x236: {  	v17 =	vld [tilespmem:s30+$0x1F520]  }
0x237: {  	v18 =	vld [tilespmem:s30+$0x1F480]  }
0x238: {  	v19 =	vld [tilespmem:s30+$0x1F460]  }
0x239: {  	v20 =	vld [tilespmem:s30+$0x1F500]  }
0x23a: {  	v21 =	vld [tilespmem:s30+$0x1F470]  }
0x23b: {  	v22 =	vld [tilespmem:s30+$0x1F430]  }
0x23c: {  	v23 =	vld [tilespmem:s30+$0x1F420]  }
0x23d: {  	v12 =	vmul.u32 $0xCCCCCCCD, v12;
	v19 =	vmul.u32 $0xCCCCCCCD, v19;
	v24 =	vld [tilespmem:s30+$0x1F510]  }
0x23e: {  	v17 =	vmul.u32 $0xCCCCCCCD, v17;
	v25 =	vld [tilespmem:s30+$0x1F440];
	v20 =	vmul.u32 $0xCCCCCCCD, v20  }
0x23f: {  	vm1 =	vlt.u32 v12, $0x33333334;
	v26 =	vld [tilespmem:s30+$0x1F400];
	vm4 =	vlt.u32 v19, $0x33333334  }
0x240: {  	v15 =	vmul.u32 $0xCCCCCCCD, v15;
	vm3 =	vlt.u32 v17, $0x33333334;
	v27 =	vld [tilespmem:s30+$0x1F410];
	vm5 =	vlt.u32 v20, $0x33333334  }
0x241: {  	v16 =	vmul.u32 $0xCCCCCCCD, v16;
	v28 =	vld [tilespmem:s30+$0x1F380]  }
0x242: {  	vm6 =	vlt.u32 v15, $0x33333334;
	v22 =	vmul.u32 $0xCCCCCCCD, v22;
	v29 =	vld [tilespmem:s30+$0x1F3C0];
	v24 =	vmul.u32 $0xCCCCCCCD, v24  }
0x243: {  	vm7 =	vlt.u32 v16, $0x33333334;
	v23 =	vmul.u32 $0xCCCCCCCD, v23;
	v25 =	vmul.u32 $0xCCCCCCCD, v25;
	v30 =	vld [tilespmem:s30+$0x1F3F0]  }
0x244: {  	v1 =	vmul.u32 $0xCCCCCCCD, v1;
	v21 =	vmul.u32 $0xCCCCCCCD, v21;
	v26 =	vmul.u32 $0xCCCCCCCD, v26;
	v31 =	vld [tilespmem:s30+$0x1F450]  }
0x245: {  	v2 =	vmul.u32 $0xCCCCCCCD, v2;
	vm10 =	vlt.u32 v22, $0x33333334;
	vm11 =	vlt.u32 v23, $0x33333334;
	v7 =	vld.idx.msk [tilespmem:v7+s4+$0x0], vm4  }
0x246: {  	vm0 =	vlt.u32 v1, $0x33333334;
	vm9 =	vlt.u32 v21, $0x33333334;
	vm8 =	vlt.u32 v24, $0x33333334;
	v13 =	vld.idx.msk [tilespmem:v13+s4+$0x0], vm3  }
0x247: {  	vm2 =	vlt.u32 v2, $0x33333334;
	v27 =	vmul.u32 $0xCCCCCCCD, v27;
	vm12 =	vlt.u32 v25, $0x33333334;
	v18 =	vld.idx.msk [tilespmem:v18+s4+$0x0], vm5  }
0x248: {  	vm13 =	vlt.u32 v26, $0x33333334;
	v6 =	vld.idx.msk [tilespmem:v6+s4+$0x0], vm1  }
0x249: {  	vm14 =	vlt.u32 v27, $0x33333334;
	v11 =	vld.idx.msk [tilespmem:v11+s4+$0x0], vm6  }
0x24a: {  	v32 =	vld [tilespmem:s30+$0x1F4E0]  }
0x24b: {  	v31 =	vmul.u32 $0xCCCCCCCD, v31;
	v14 =	vld.idx.msk [tilespmem:v14+s4+$0x0], vm7  }
0x24c: {  	v5 =	vld.idx.msk [tilespmem:v5+s4+$0x0], vm8  }
0x24d: {  	vm15 =	vlt.u32 v31, $0x33333334;
	v10 =	vld.idx.msk [tilespmem:v10+s4+$0x0], vm10  }
0x24e: {  	v28 =	vld.idx.msk [tilespmem:v28+s4+$0x0], vm13  }
0x24f: {  	v29 =	vld.idx.msk [tilespmem:v29+s4+$0x0], vm12  }
0x250: {  	v9 =	vld.idx.msk [tilespmem:v9+s4+$0x0], vm11  }
0x251: {  	v8 =	vld.idx.msk [tilespmem:v8+s4+$0x0], vm14  }
0x252: {  	v30 =	vld.idx.msk [tilespmem:v30+s4+$0x0], vm9  }
0x253: {  	v3 =	vld.idx.msk [tilespmem:v3+s4+$0x0], vm0  }
0x254: {  	v33 =	vld.idx.msk [tilespmem:v4+s4+$0x0], vm15  }
0x255: {  	v4 =	vld.idx.msk [tilespmem:v32+s4+$0x0], vm2  }
0x256: {  	[tilespmem:v26+s18+$0x0] =	vst.idx.add.f32.msk vm13, v28  }
0x257: {  	[tilespmem:v27+s18+$0x0] =	vst.idx.add.f32.msk vm14, v8  }
0x258: {  	[tilespmem:v23+s18+$0x0] =	vst.idx.add.f32.msk vm11, v9  }
0x259: {  	[tilespmem:v22+s18+$0x0] =	vst.idx.add.f32.msk vm10, v10  }
0x25a: {  	[tilespmem:v25+s18+$0x0] =	vst.idx.add.f32.msk vm12, v29  }
0x25b: {  	[tilespmem:v31+s18+$0x0] =	vst.idx.add.f32.msk vm15, v33  }
0x25c: {  	[tilespmem:v19+s18+$0x0] =	vst.idx.add.f32.msk vm4, v7  }
0x25d: {  	[tilespmem:v21+s18+$0x0] =	vst.idx.add.f32.msk vm9, v30  }
0x25e: {  	[tilespmem:v20+s18+$0x0] =	vst.idx.add.f32.msk vm5, v18  }
.Ltmp12:
0x25f: {  	[tilespmem:v24+s18+$0x0] =	vst.idx.add.f32.msk vm8, v5;
	(pc) =	sbr.rel @p0 .LBB2_18-.Ltmp12, $4  }
0x260: {  	[tilespmem:v17+s18+$0x0] =	vst.idx.add.f32.msk vm3, v13  }
0x261: {  	[tilespmem:v16+s18+$0x0] =	vst.idx.add.f32.msk vm7, v14  }
0x262: {  	[tilespmem:v15+s18+$0x0] =	vst.idx.add.f32.msk vm6, v11  }
0x263: {  	[tilespmem:v12+s18+$0x0] =	vst.idx.add.f32.msk vm1, v6  }
0x264: {  	_ = 	snop  }
0x265: {  	p0 =	sgt.u32 s28, $0x1307  }
0x266: {  	s28 =	smul.u32 @!p0 $0xA00, s28  }
.Ltmp13:
0x267: {  	_ = 	snop;
	(pc) =	sbr.rel .LBB2_20-.Ltmp13, $4  }
0x268: {  	s28 =	sshrl.u32 @!p0 s28, $0x3  }
0x269: {  	[tilespmem:v2+s18+$0x0] =	vst.idx.add.f32.msk vm2, v4;
	s28 =	sadd.s32 @!p0 s3, s28  }
0x26a: {  	[tilespmem:v1+s18+$0x0] =	vst.idx.add.f32.msk vm0, v3;
	s29 =	simm.s32 @!p0 $0x0;
	s30 =	simm.s32 @!p0 $0x1F380;
	s28 =	sadd.s32 @!p0 $0xA000, s28  }
0x26b: {  	[tilespmem:s30], [sflag:$0x5] =	stream.linear.gather @!p0 [hbm4b:s28+s29], $0xA00, $0x38;
	[tilespmem:$0x1FD80] =	vst v63  }
.LBB2_22:
0x26c: {  	_ =	sfence.sel $0x180000  }
0x26d: {  	[bflag:$0x0] =	sbarrier.arrive $0xFFFF  }
0x26e: {  	p0 =	sne.s32 s0, $0x0;
	_ =	strace $0x90000047  }
0x26f: {  	s0 =	sadd.s32 @!p0 $0x100000, s1;
	[bflag:$0x2] =	sbarrier.arrive $0xFFFF  }
0x270: {  	[sflag:s0] =	ssyncadd.tile.s32 @!p0 $0x1;
	_ =	shalt  }
.Lfunc_end2:
_tile_overlayer_lowered:
.L_overlay_start_2:
0x271: {  	(tag) =	ssettag $0x2  }
0x272: {  	s0 =	rddreg [dreg:$0x0];
	s2 =	stileid.u32  }
0x273: {  	s1 =	rddreg [dreg:$0x1];
	p0 =	sne.s32 s2, $0x0  }
0x274: {  	s3 =	rddreg [dreg:$0x2];
	[bflag:$0x3] =	sbarrier.arrive $0xFFFF;
	s2 =	simm.s32 @!p0 $0x1C06  }
0x275: {  	[timem:s3], [sflag:s2] =	dma.local @!p0 [hbm:s0], s1  }
0x276: {  	s0 =	simm.s32 @!p0 $0x6  }
0x277: {  	_ =	swait.ge @!p0 [sflag:s0], s1  }
0x278: {  	s1 =	ssub.s32 @!p0 $0x0, s1;
	[sflag:s0] =	ssyncset.done @!p0 $0x0  }
0x279: {  	[sflag:s0] =	ssyncadd.s32 @!p0 s1  }
0x27a: {  	[bflag:$0x3] =	sbarrier.arrive $0xFFFF  }
0x27b: {  	_ =	shalt  }

</sc_bundles>
